<compile_context>
chip_gen: v7x
topology: tpu7x:2x2x1
jax: 0.10.2.dev20260603
libtpu: 0.0.44.dev20260713+nightly
codegen_flags: <defaults>
</compile_context>

<pallas_src>
import functools

import jax
import jax.numpy as jnp
from jax import lax
from jax.experimental import pallas as pl
from jax.experimental.pallas import tpu as pltpu
from jax.experimental.pallas import tpu_sc as plsc

N = 10000
E = 320000
D_IN = 128
DH = 256
DHALF = 128
D_T = 4

NC = 2
NS = 16
CHUNK = 96
EDGES_PER_SUB = E // NS
NCHUNKS = EDGES_PER_SUB // CHUNK
TAIL = EDGES_PER_SUB - NCHUNKS * CHUNK
RSTRIPE = 624
RSTRIPE_LAST = N - (NS - 1) * RSTRIPE

ROWBLK = 1000
GRID = N // ROWBLK


def _enc_body(f_ref, w_ref, b_ref, h2_ref):
    h = jnp.maximum(f_ref[...] @ w_ref[...] + b_ref[...], 0.0)
    h2_ref[0] = h[:, :DHALF]
    h2_ref[1] = h[:, DHALF:]


def _encode(feature, W_enc, b_enc):
    return pl.pallas_call(
        _enc_body,
        grid=(GRID,),
        in_specs=[
            pl.BlockSpec((ROWBLK, D_IN), lambda i: (i, 0)),
            pl.BlockSpec((D_IN, DH), lambda i: (0, 0)),
            pl.BlockSpec((1, DH), lambda i: (0, 0)),
        ],
        out_specs=pl.BlockSpec((NC, ROWBLK, DHALF), lambda i: (0, i, 0)),
        out_shape=jax.ShapeDtypeStruct((NC, N, DHALF), jnp.float32),
    )(feature, W_enc, b_enc.reshape(1, DH))


def _sc_body(h_hbm, src_hbm, dst_hbm, z_hbm, out_hbm,
             srcv, dstv, rows, srcv_t, dstv_t, acc_sh,
             isems, idems, gsems, ssems):
    c = lax.axis_index("c")
    s = lax.axis_index("s")
    hc = h_hbm.at[c]
    ebase = s * EDGES_PER_SUB

    rbase = s * RSTRIPE

    @pl.when(s < NS - 1)
    def _():
        pltpu.sync_copy(z_hbm.at[pl.ds(rbase, RSTRIPE)],
                        acc_sh.at[pl.ds(rbase, RSTRIPE)])

    @pl.when(s == NS - 1)
    def _():
        pltpu.sync_copy(z_hbm.at[pl.ds(rbase, RSTRIPE_LAST)],
                        acc_sh.at[pl.ds(rbase, RSTRIPE_LAST)])

    plsc.subcore_barrier()

    def idx_load(i, p):
        pltpu.async_copy(src_hbm.at[pl.ds(ebase + i * CHUNK, CHUNK)],
                         srcv[p], isems[p])
        pltpu.async_copy(dst_hbm.at[pl.ds(ebase + i * CHUNK, CHUNK)],
                         dstv[p], idems[p])

    def idx_drain(p):
        pltpu.make_async_copy(src_hbm.at[pl.ds(0, CHUNK)], srcv[p],
                              isems[p]).wait()
        pltpu.make_async_copy(dst_hbm.at[pl.ds(0, CHUNK)], dstv[p],
                              idems[p]).wait()

    def gather_drain(p):
        pltpu.make_async_copy(hc.at[srcv[p]], rows[p], gsems[p]).wait()

    def scatter_drain(p):
        pltpu.make_async_copy(rows[p], acc_sh.at[dstv[p]], ssems[p]).wait()

    idx_load(0, 0)
    idx_load(1, 1)
    idx_load(2, 2)
    idx_load(3, 3)
    idx_drain(0)
    pltpu.async_copy(hc.at[srcv[0]], rows[0], gsems[0])
    idx_drain(1)
    pltpu.async_copy(hc.at[srcv[1]], rows[1], gsems[1])

    def slot_step(i, p):
        pn2 = (p + 2) % 4
        pq = (p + 3) % 4

        @pl.when(i < NCHUNKS - 2)
        def _():
            idx_drain(pn2)
            pltpu.async_copy(hc.at[srcv[pn2]], rows[pn2], gsems[pn2])

        gather_drain(p)
        pltpu.async_copy(rows[p], acc_sh.at[dstv[p]], ssems[p], add=True)

        @pl.when(i >= 1)
        def _():
            scatter_drain(pq)

        @pl.when(jnp.logical_and(i >= 1, i <= NCHUNKS - 4))
        def _():
            idx_load(i + 3, pq)

    def body(i, carry):
        r = lax.rem(i, 4)

        @pl.when(r == 0)
        def _():
            slot_step(i, 0)

        @pl.when(r == 1)
        def _():
            slot_step(i, 1)

        @pl.when(r == 2)
        def _():
            slot_step(i, 2)

        @pl.when(r == 3)
        def _():
            slot_step(i, 3)

        return carry

    lax.fori_loop(0, NCHUNKS, body, 0)
    scatter_drain((NCHUNKS - 1) % 4)

    tbase = ebase + NCHUNKS * CHUNK
    rows_t = rows[0].at[pl.ds(0, TAIL)]
    pltpu.sync_copy(src_hbm.at[pl.ds(tbase, TAIL)], srcv_t)
    pltpu.sync_copy(dst_hbm.at[pl.ds(tbase, TAIL)], dstv_t)
    pltpu.async_copy(hc.at[srcv_t], rows_t, gsems[0]).wait()
    pltpu.async_copy(rows_t, acc_sh.at[dstv_t], ssems[0], add=True).wait()
    plsc.subcore_barrier()

    @pl.when(s < NS - 1)
    def _():
        pltpu.sync_copy(acc_sh.at[pl.ds(rbase, RSTRIPE)],
                        out_hbm.at[c].at[pl.ds(rbase, RSTRIPE)])

    @pl.when(s == NS - 1)
    def _():
        pltpu.sync_copy(acc_sh.at[pl.ds(rbase, RSTRIPE_LAST)],
                        out_hbm.at[c].at[pl.ds(rbase, RSTRIPE_LAST)])


def _segment_sum(h2, src, dst):
    zeros = jnp.zeros((N, DHALF), jnp.float32)
    mesh = plsc.VectorSubcoreMesh(core_axis_name="c", subcore_axis_name="s")
    return pl.kernel(
        _sc_body,
        out_type=jax.ShapeDtypeStruct((NC, N, DHALF), jnp.float32),
        mesh=mesh,
        scratch_types=[
            [pltpu.VMEM((CHUNK,), jnp.int32) for _ in range(4)],
            [pltpu.VMEM((CHUNK,), jnp.int32) for _ in range(4)],
            [pltpu.VMEM((CHUNK, DHALF), jnp.float32) for _ in range(4)],
            pltpu.VMEM((TAIL,), jnp.int32),
            pltpu.VMEM((TAIL,), jnp.int32),
            pltpu.VMEM_SHARED((N, DHALF), jnp.float32),
            [pltpu.SemaphoreType.DMA for _ in range(4)],
            [pltpu.SemaphoreType.DMA for _ in range(4)],
            [pltpu.SemaphoreType.DMA for _ in range(4)],
            [pltpu.SemaphoreType.DMA for _ in range(4)],
        ],
    )(h2, src, dst, zeros)


def _mlp_pool_body(h2_ref, agg_ref, wm1_ref, bm1_ref, wm2_ref, bm2_ref,
                   wa_ref, ba_ref, wb_ref, bb_ref, wc_ref, bc_ref,
                   gamma_ref, beta_ref, wo_ref, bo_ref, out_ref,
                   m_sc, s_sc, S_sc):
    i = pl.program_id(0)
    x = jnp.concatenate([h2_ref[0] + agg_ref[0], h2_ref[1] + agg_ref[1]],
                        axis=1)
    mm = jnp.maximum(x @ wm1_ref[...] + bm1_ref[...], 0.0)
    h = mm @ wm2_ref[...] + bm2_ref[...]
    a = jnp.tanh(h @ wa_ref[...] + ba_ref[...])
    g = jax.nn.sigmoid(h @ wb_ref[...] + bb_ref[...])
    scores = ((a * g) @ wc_ref[...] + bc_ref[...])[:, 0]

    @pl.when(i == 0)
    def _():
        m_sc[0, 0] = -jnp.inf
        s_sc[0, 0] = 0.0
        S_sc[...] = jnp.zeros_like(S_sc)

    m_old = m_sc[0, 0]
    m_new = jnp.maximum(m_old, jnp.max(scores))
    corr = jnp.exp(m_old - m_new)
    e = jnp.exp(scores - m_new)
    s_sc[0, 0] = s_sc[0, 0] * corr + jnp.sum(e)
    S_sc[...] = S_sc[...] * corr + e[None, :] @ h
    m_sc[0, 0] = m_new

    @pl.when(i == GRID - 1)
    def _():
        pooled = S_sc[...] / s_sc[0, 0]
        mu = jnp.mean(pooled)
        var = jnp.mean((pooled - mu) ** 2)
        pn = (pooled - mu) * jax.lax.rsqrt(var + 1e-5)
        pn = pn * gamma_ref[...] + beta_ref[...]
        out_ref[...] = pn @ wo_ref[...] + bo_ref[...]


def _mlp_pool(h2, agg2, W_m1, b_m1, W_m2, b_m2, W_a, b_a, W_b, b_b, W_c, b_c,
              gamma, beta, W_out, b_out):
    full = lambda r, c: pl.BlockSpec((r, c), lambda i: (0, 0))
    return pl.pallas_call(
        _mlp_pool_body,
        grid=(GRID,),
        in_specs=[
            pl.BlockSpec((NC, ROWBLK, DHALF), lambda i: (0, i, 0)),
            pl.BlockSpec((NC, ROWBLK, DHALF), lambda i: (0, i, 0)),
            full(DH, DH), full(1, DH), full(DH, DH), full(1, DH),
            full(DH, DH), full(1, DH), full(DH, DH), full(1, DH),
            full(DH, 1), full(1, 1),
            full(1, DH), full(1, DH), full(DH, D_T), full(1, D_T),
        ],
        out_specs=pl.BlockSpec((1, D_T), lambda i: (0, 0)),
        out_shape=jax.ShapeDtypeStruct((1, D_T), jnp.float32),
        scratch_shapes=[
            pltpu.SMEM((1, 1), jnp.float32),
            pltpu.SMEM((1, 1), jnp.float32),
            pltpu.VMEM((1, DH), jnp.float32),
        ],
    )(h2, agg2, W_m1, b_m1.reshape(1, DH), W_m2, b_m2.reshape(1, DH),
      W_a, b_a.reshape(1, DH), W_b, b_b.reshape(1, DH),
      W_c, b_c.reshape(1, 1),
      gamma.reshape(1, DH), beta.reshape(1, DH), W_out,
      b_out.reshape(1, D_T))


def kernel(feature, edge_index, batch, W_enc, b_enc, W_m1, b_m1, W_m2, b_m2,
           W_a, b_a, W_b, b_b, W_c, b_c, gamma, beta, W_out, b_out):
    src = edge_index[0]
    dst = edge_index[1]
    h2 = _encode(feature, W_enc, b_enc)
    agg2 = _segment_sum(h2, src, dst)
    return _mlp_pool(h2, agg2, W_m1, b_m1, W_m2, b_m2,
                     W_a, b_a, W_b, b_b, W_c, b_c,
                     gamma, beta, W_out, b_out)

# --- scband reference (transcript-rebuilt; emitter-appended) ---
"""Pipeline reference for scband-survival-graph-arch-24953759990040 (READ-ONLY COPY).

The authoritative reference and input builder live on the scoring server;
editing this copy changes nothing except your own understanding.
"""

import jax, jax.numpy as jnp
import numpy as np

N = 10000
E = 320000
D_IN = 128
D_H = 256
D_T = 4
NUM_GRAPHS = 1


def setup_inputs(seed: int = 0) -> dict:
    key = jax.random.key(seed)
    ks = jax.random.split(key, 20)
    s = 0.05
    inp = {}
    inp["feature"] = jax.random.normal(ks[0], (N, D_IN), dtype=jnp.float32)
    inp["edge_index"] = jax.random.randint(ks[1], (2, E), 0, N, dtype=jnp.int32)
    inp["batch"] = jnp.zeros((N,), dtype=jnp.int32)
    # encoder branch: Linear(D_IN, D_H) + ReLU
    inp["W_enc"] = jax.random.normal(ks[2], (D_IN, D_H), dtype=jnp.float32) * s
    inp["b_enc"] = jnp.zeros((D_H,), dtype=jnp.float32)
    # GINConv MLP block: Linear(D_H, D_H) + ReLU + Linear(D_H, D_H)
    inp["W_m1"] = jax.random.normal(ks[3], (D_H, D_H), dtype=jnp.float32) * s
    inp["b_m1"] = jnp.zeros((D_H,), dtype=jnp.float32)
    inp["W_m2"] = jax.random.normal(ks[4], (D_H, D_H), dtype=jnp.float32) * s
    inp["b_m2"] = jnp.zeros((D_H,), dtype=jnp.float32)
    # Attn_Net_Gated: attention_a (tanh), attention_b (sigmoid), attention_c
    inp["W_a"] = jax.random.normal(ks[5], (D_H, 256), dtype=jnp.float32) * s
    inp["b_a"] = jnp.zeros((256,), dtype=jnp.float32)
    inp["W_b"] = jax.random.normal(ks[6], (D_H, 256), dtype=jnp.float32) * s
    inp["b_b"] = jnp.zeros((256,), dtype=jnp.float32)
    inp["W_c"] = jax.random.normal(ks[7], (256, 1), dtype=jnp.float32) * s
    inp["b_c"] = jnp.zeros((1,), dtype=jnp.float32)
    # GroupNorm(num_groups=1) affine params over D_H channels
    inp["gamma"] = jnp.ones((D_H,), dtype=jnp.float32)
    inp["beta"] = jnp.zeros((D_H,), dtype=jnp.float32)
    # survival head: Linear(D_H, dim_target)
    inp["W_out"] = jax.random.normal(ks[8], (D_H, D_T), dtype=jnp.float32) * s
    inp["b_out"] = jnp.zeros((D_T,), dtype=jnp.float32)
    return inp


def reference(feature, edge_index, batch, W_enc, b_enc, W_m1, b_m1, W_m2, b_m2,
              W_a, b_a, W_b, b_b, W_c, b_c, gamma, beta, W_out, b_out):
    # per-node encoder branch (enc_branches[k]): Linear + ReLU
    h = jax.nn.relu(feature @ W_enc + b_enc)
    # GINConv message passing: MLP((1 + eps) * x + sum_{j in N(i)} x_j), eps = 0
    src = edge_index[0]
    dst = edge_index[1]
    agg = jax.ops.segment_sum(h[src], dst, num_segments=h.shape[0])
    m = h + agg
    m = jax.nn.relu(m @ W_m1 + b_m1)
    h = m @ W_m2 + b_m2
    # gated attention network (Attn_Net_Gated)
    a = jnp.tanh(h @ W_a + b_a)
    g = jax.nn.sigmoid(h @ W_b + b_b)
    A = (a * g) @ W_c + b_c  # [N, 1]
    # segment softmax of attention scores per graph
    Acol = A[:, 0]
    Amax = jax.ops.segment_max(Acol, batch, num_segments=NUM_GRAPHS)
    Aexp = jnp.exp(Acol - Amax[batch])
    Asum = jax.ops.segment_sum(Aexp, batch, num_segments=NUM_GRAPHS)
    w = Aexp / Asum[batch]
    # attention-weighted SumAggregation per graph
    pooled = jax.ops.segment_sum(w[:, None] * h, batch, num_segments=NUM_GRAPHS)  # [B, D_H]
    # GroupNorm with num_groups=1 -> LayerNorm-style over channels, with affine
    mu = jnp.mean(pooled, axis=1, keepdims=True)
    var = jnp.var(pooled, axis=1, keepdims=True)
    pooled_n = (pooled - mu) / jnp.sqrt(var + 1e-5)
    pooled_n = pooled_n * gamma + beta
    # survival head
    out = pooled_n @ W_out + b_out  # [B, D_T]
    return out

if __name__ == "__main__":
    import jax
    _d = setup_inputs()
    print(jax.jit(kernel)(*tuple(_d.values())))

</pallas_src>

<mosaic_0001>
#map = affine_map<(d0, d1) -> (0, 0, 0)>
#map1 = affine_map<(d0, d1) -> (0)>
#map2 = affine_map<(d0, d1) -> (0, 0)>
module attributes {stable_mosaic.version = 14 : i64} {
  func.func @_sc_body(%arg0: i32, %arg1: i32, %arg2: memref<2x10000x128xf32, #tpu.memory_space<hbm>>, %arg3: memref<320000xi32, #tpu.memory_space<hbm>>, %arg4: memref<320000xi32, #tpu.memory_space<hbm>>, %arg5: memref<10000x128xf32, #tpu.memory_space<hbm>>, %arg6: memref<2x10000x128xf32, #tpu.memory_space<hbm>>, %arg7: memref<96xi32, #tpu.memory_space<vmem>>, %arg8: memref<96xi32, #tpu.memory_space<vmem>>, %arg9: memref<96xi32, #tpu.memory_space<vmem>>, %arg10: memref<96xi32, #tpu.memory_space<vmem>>, %arg11: memref<96xi32, #tpu.memory_space<vmem>>, %arg12: memref<96xi32, #tpu.memory_space<vmem>>, %arg13: memref<96xi32, #tpu.memory_space<vmem>>, %arg14: memref<96xi32, #tpu.memory_space<vmem>>, %arg15: memref<96x128xf32, #tpu.memory_space<vmem>>, %arg16: memref<96x128xf32, #tpu.memory_space<vmem>>, %arg17: memref<96x128xf32, #tpu.memory_space<vmem>>, %arg18: memref<96x128xf32, #tpu.memory_space<vmem>>, %arg19: memref<32xi32, #tpu.memory_space<vmem>>, %arg20: memref<32xi32, #tpu.memory_space<vmem>>, %arg21: memref<10000x128xf32, #tpu.memory_space<vmem_shared>>, %arg22: memref<!tpu.dma_semaphore, #tpu.memory_space<semaphore_mem>>, %arg23: memref<!tpu.dma_semaphore, #tpu.memory_space<semaphore_mem>>, %arg24: memref<!tpu.dma_semaphore, #tpu.memory_space<semaphore_mem>>, %arg25: memref<!tpu.dma_semaphore, #tpu.memory_space<semaphore_mem>>, %arg26: memref<!tpu.dma_semaphore, #tpu.memory_space<semaphore_mem>>, %arg27: memref<!tpu.dma_semaphore, #tpu.memory_space<semaphore_mem>>, %arg28: memref<!tpu.dma_semaphore, #tpu.memory_space<semaphore_mem>>, %arg29: memref<!tpu.dma_semaphore, #tpu.memory_space<semaphore_mem>>, %arg30: memref<!tpu.dma_semaphore, #tpu.memory_space<semaphore_mem>>, %arg31: memref<!tpu.dma_semaphore, #tpu.memory_space<semaphore_mem>>, %arg32: memref<!tpu.dma_semaphore, #tpu.memory_space<semaphore_mem>>, %arg33: memref<!tpu.dma_semaphore, #tpu.memory_space<semaphore_mem>>, %arg34: memref<!tpu.dma_semaphore, #tpu.memory_space<semaphore_mem>>, %arg35: memref<!tpu.dma_semaphore, #tpu.memory_space<semaphore_mem>>, %arg36: memref<!tpu.dma_semaphore, #tpu.memory_space<semaphore_mem>>, %arg37: memref<!tpu.dma_semaphore, #tpu.memory_space<semaphore_mem>>) attributes {dimension_semantics = [#tpu.dimension_semantics<core_parallel>, #tpu.dimension_semantics<subcore_parallel>], iteration_bounds = array<i64: 2, 16>, scalar_prefetch = 0 : i64, scratch_operands = 31 : i64, tpu.core_type = #tpu.core_type<sc_vector_subcore>, window_params = [{transform_indices = #map}, {transform_indices = #map1}, {transform_indices = #map1}, {transform_indices = #map2}, {transform_indices = #map}]} {
    %mul3A = arith.constant 20000 : i32
    %mul3A_0 = arith.muli %arg1, %mul3A : i32
    %mul3A_1 = arith.constant 624 : i32
    %mul3A_2 = arith.muli %arg1, %mul3A_1 : i32
    %lt3A = arith.constant 15 : i32
    %lt3A_3 = arith.cmpi slt, %arg1, %lt3A : i32
    %convert_element_type3A = arith.extui %lt3A_3 : i1 to i32
    %cond3A = arith.constant 0 : i32
    %cond3A_4 = arith.cmpi ne, %convert_element_type3A, %cond3A : i32
    scf.if %cond3A_4 {
      "tpu.region"() ({
        %run_scoped3A = tpu.sem_alloc : memref<!tpu.dma_semaphore, #tpu.memory_space<semaphore_mem>>
        %dma_start3A_121 = arith.constant 0 : i32
        %dma_start3A_122 = tpu.memref_slice %arg21[%mul3A_2, %dma_start3A_121] : memref<10000x128xf32, #tpu.memory_space<vmem_shared>> -> memref<624x128xf32, #tpu.memory_space<vmem_shared>>
        %dma_start3A_123 = arith.constant 0 : i32
        %dma_start3A_124 = tpu.memref_slice %arg5[%mul3A_2, %dma_start3A_123] : memref<10000x128xf32, #tpu.memory_space<hbm>> -> memref<624x128xf32, #tpu.memory_space<hbm>>
        tpu.enqueue_dma source(%dma_start3A_124 : memref<624x128xf32, #tpu.memory_space<hbm>>) target(%dma_start3A_122 : memref<624x128xf32, #tpu.memory_space<vmem_shared>>) target_semaphore(%run_scoped3A : memref<!tpu.dma_semaphore, #tpu.memory_space<semaphore_mem>>)
        %dma_wait3A_125 = arith.constant 0 : i32
        %dma_wait3A_126 = tpu.memref_slice %arg21[%mul3A_2, %dma_wait3A_125] : memref<10000x128xf32, #tpu.memory_space<vmem_shared>> -> memref<624x128xf32, #tpu.memory_space<vmem_shared>>
        %dma_wait3A_127 = arith.constant 0 : i32
        %dma_wait3A_128 = tpu.memref_slice %arg5[%mul3A_2, %dma_wait3A_127] : memref<10000x128xf32, #tpu.memory_space<hbm>> -> memref<624x128xf32, #tpu.memory_space<hbm>>
        tpu.wait_dma2 semaphore(%run_scoped3A : memref<!tpu.dma_semaphore, #tpu.memory_space<semaphore_mem>>) src(%dma_wait3A_128 : memref<624x128xf32, #tpu.memory_space<hbm>>) dst(%dma_wait3A_126 : memref<624x128xf32, #tpu.memory_space<vmem_shared>>)
        tpu.yield
      }) : () -> ()
    } else {
    }
    %eq3A = arith.constant 15 : i32
    %eq3A_5 = arith.cmpi eq, %arg1, %eq3A : i32
    %convert_element_type3A_6 = arith.extui %eq3A_5 : i1 to i32
    %cond3A_7 = arith.constant 0 : i32
    %cond3A_8 = arith.cmpi ne, %convert_element_type3A_6, %cond3A_7 : i32
    scf.if %cond3A_8 {
      "tpu.region"() ({
        %run_scoped3A = tpu.sem_alloc : memref<!tpu.dma_semaphore, #tpu.memory_space<semaphore_mem>>
        %dma_start3A_121 = arith.constant 0 : i32
        %dma_start3A_122 = tpu.memref_slice %arg21[%mul3A_2, %dma_start3A_121] : memref<10000x128xf32, #tpu.memory_space<vmem_shared>> -> memref<640x128xf32, #tpu.memory_space<vmem_shared>>
        %dma_start3A_123 = arith.constant 0 : i32
        %dma_start3A_124 = tpu.memref_slice %arg5[%mul3A_2, %dma_start3A_123] : memref<10000x128xf32, #tpu.memory_space<hbm>> -> memref<640x128xf32, #tpu.memory_space<hbm>>
        tpu.enqueue_dma source(%dma_start3A_124 : memref<640x128xf32, #tpu.memory_space<hbm>>) target(%dma_start3A_122 : memref<640x128xf32, #tpu.memory_space<vmem_shared>>) target_semaphore(%run_scoped3A : memref<!tpu.dma_semaphore, #tpu.memory_space<semaphore_mem>>)
        %dma_wait3A_125 = arith.constant 0 : i32
        %dma_wait3A_126 = tpu.memref_slice %arg21[%mul3A_2, %dma_wait3A_125] : memref<10000x128xf32, #tpu.memory_space<vmem_shared>> -> memref<640x128xf32, #tpu.memory_space<vmem_shared>>
        %dma_wait3A_127 = arith.constant 0 : i32
        %dma_wait3A_128 = tpu.memref_slice %arg5[%mul3A_2, %dma_wait3A_127] : memref<10000x128xf32, #tpu.memory_space<hbm>> -> memref<640x128xf32, #tpu.memory_space<hbm>>
        tpu.wait_dma2 semaphore(%run_scoped3A : memref<!tpu.dma_semaphore, #tpu.memory_space<semaphore_mem>>) src(%dma_wait3A_128 : memref<640x128xf32, #tpu.memory_space<hbm>>) dst(%dma_wait3A_126 : memref<640x128xf32, #tpu.memory_space<vmem_shared>>)
        tpu.yield
      }) : () -> ()
    } else {
    }
    %barrier3A = arith.constant 0 : index
    tpu.barrier barrier_id(%barrier3A)
    %add3A = arith.constant 0 : i32
    %add3A_9 = arith.addi %mul3A_0, %add3A : i32
    %dma_start3A = tpu.memref_slice %arg3[%add3A_9] : memref<320000xi32, #tpu.memory_space<hbm>> -> memref<96xi32, #tpu.memory_space<hbm>>
    %dma_start3A_10 = tpu.memref_slice %arg3[%add3A_9] : memref<320000xi32, #tpu.memory_space<hbm>> -> memref<96xi32, #tpu.memory_space<hbm>>
    tpu.enqueue_dma source(%dma_start3A_10 : memref<96xi32, #tpu.memory_space<hbm>>) target(%arg7 : memref<96xi32, #tpu.memory_space<vmem>>) target_semaphore(%arg22 : memref<!tpu.dma_semaphore, #tpu.memory_space<semaphore_mem>>)
    %add3A_11 = arith.constant 0 : i32
    %add3A_12 = arith.addi %mul3A_0, %add3A_11 : i32
    %dma_start3A_13 = tpu.memref_slice %arg4[%add3A_12] : memref<320000xi32, #tpu.memory_space<hbm>> -> memref<96xi32, #tpu.memory_space<hbm>>
    %dma_start3A_14 = tpu.memref_slice %arg4[%add3A_12] : memref<320000xi32, #tpu.memory_space<hbm>> -> memref<96xi32, #tpu.memory_space<hbm>>
    tpu.enqueue_dma source(%dma_start3A_14 : memref<96xi32, #tpu.memory_space<hbm>>) target(%arg11 : memref<96xi32, #tpu.memory_space<vmem>>) target_semaphore(%arg26 : memref<!tpu.dma_semaphore, #tpu.memory_space<semaphore_mem>>)
    %add3A_15 = arith.constant 96 : i32
    %add3A_16 = arith.addi %mul3A_0, %add3A_15 : i32
    %dma_start3A_17 = tpu.memref_slice %arg3[%add3A_16] : memref<320000xi32, #tpu.memory_space<hbm>> -> memref<96xi32, #tpu.memory_space<hbm>>
    %dma_start3A_18 = tpu.memref_slice %arg3[%add3A_16] : memref<320000xi32, #tpu.memory_space<hbm>> -> memref<96xi32, #tpu.memory_space<hbm>>
    tpu.enqueue_dma source(%dma_start3A_18 : memref<96xi32, #tpu.memory_space<hbm>>) target(%arg8 : memref<96xi32, #tpu.memory_space<vmem>>) target_semaphore(%arg23 : memref<!tpu.dma_semaphore, #tpu.memory_space<semaphore_mem>>)
    %add3A_19 = arith.constant 96 : i32
    %add3A_20 = arith.addi %mul3A_0, %add3A_19 : i32
    %dma_start3A_21 = tpu.memref_slice %arg4[%add3A_20] : memref<320000xi32, #tpu.memory_space<hbm>> -> memref<96xi32, #tpu.memory_space<hbm>>
    %dma_start3A_22 = tpu.memref_slice %arg4[%add3A_20] : memref<320000xi32, #tpu.memory_space<hbm>> -> memref<96xi32, #tpu.memory_space<hbm>>
    tpu.enqueue_dma source(%dma_start3A_22 : memref<96xi32, #tpu.memory_space<hbm>>) target(%arg12 : memref<96xi32, #tpu.memory_space<vmem>>) target_semaphore(%arg27 : memref<!tpu.dma_semaphore, #tpu.memory_space<semaphore_mem>>)
    %add3A_23 = arith.constant 192 : i32
    %add3A_24 = arith.addi %mul3A_0, %add3A_23 : i32
    %dma_start3A_25 = tpu.memref_slice %arg3[%add3A_24] : memref<320000xi32, #tpu.memory_space<hbm>> -> memref<96xi32, #tpu.memory_space<hbm>>
    %dma_start3A_26 = tpu.memref_slice %arg3[%add3A_24] : memref<320000xi32, #tpu.memory_space<hbm>> -> memref<96xi32, #tpu.memory_space<hbm>>
    tpu.enqueue_dma source(%dma_start3A_26 : memref<96xi32, #tpu.memory_space<hbm>>) target(%arg9 : memref<96xi32, #tpu.memory_space<vmem>>) target_semaphore(%arg24 : memref<!tpu.dma_semaphore, #tpu.memory_space<semaphore_mem>>)
    %add3A_27 = arith.constant 192 : i32
    %add3A_28 = arith.addi %mul3A_0, %add3A_27 : i32
    %dma_start3A_29 = tpu.memref_slice %arg4[%add3A_28] : memref<320000xi32, #tpu.memory_space<hbm>> -> memref<96xi32, #tpu.memory_space<hbm>>
    %dma_start3A_30 = tpu.memref_slice %arg4[%add3A_28] : memref<320000xi32, #tpu.memory_space<hbm>> -> memref<96xi32, #tpu.memory_space<hbm>>
    tpu.enqueue_dma source(%dma_start3A_30 : memref<96xi32, #tpu.memory_space<hbm>>) target(%arg13 : memref<96xi32, #tpu.memory_space<vmem>>) target_semaphore(%arg28 : memref<!tpu.dma_semaphore, #tpu.memory_space<semaphore_mem>>)
    %add3A_31 = arith.constant 288 : i32
    %add3A_32 = arith.addi %mul3A_0, %add3A_31 : i32
    %dma_start3A_33 = tpu.memref_slice %arg3[%add3A_32] : memref<320000xi32, #tpu.memory_space<hbm>> -> memref<96xi32, #tpu.memory_space<hbm>>
    %dma_start3A_34 = tpu.memref_slice %arg3[%add3A_32] : memref<320000xi32, #tpu.memory_space<hbm>> -> memref<96xi32, #tpu.memory_space<hbm>>
    tpu.enqueue_dma source(%dma_start3A_34 : memref<96xi32, #tpu.memory_space<hbm>>) target(%arg10 : memref<96xi32, #tpu.memory_space<vmem>>) target_semaphore(%arg25 : memref<!tpu.dma_semaphore, #tpu.memory_space<semaphore_mem>>)
    %add3A_35 = arith.constant 288 : i32
    %add3A_36 = arith.addi %mul3A_0, %add3A_35 : i32
    %dma_start3A_37 = tpu.memref_slice %arg4[%add3A_36] : memref<320000xi32, #tpu.memory_space<hbm>> -> memref<96xi32, #tpu.memory_space<hbm>>
    %dma_start3A_38 = tpu.memref_slice %arg4[%add3A_36] : memref<320000xi32, #tpu.memory_space<hbm>> -> memref<96xi32, #tpu.memory_space<hbm>>
    tpu.enqueue_dma source(%dma_start3A_38 : memref<96xi32, #tpu.memory_space<hbm>>) target(%arg14 : memref<96xi32, #tpu.memory_space<vmem>>) target_semaphore(%arg29 : memref<!tpu.dma_semaphore, #tpu.memory_space<semaphore_mem>>)
    %dma_wait3A = arith.constant 0 : i32
    %dma_wait3A_39 = tpu.memref_slice %arg3[%dma_wait3A] : memref<320000xi32, #tpu.memory_space<hbm>> -> memref<96xi32, #tpu.memory_space<hbm>>
    %dma_wait3A_40 = arith.constant 0 : i32
    %dma_wait3A_41 = tpu.memref_slice %arg3[%dma_wait3A_40] : memref<320000xi32, #tpu.memory_space<hbm>> -> memref<96xi32, #tpu.memory_space<hbm>>
    tpu.wait_dma2 semaphore(%arg22 : memref<!tpu.dma_semaphore, #tpu.memory_space<semaphore_mem>>) src(%dma_wait3A_41 : memref<96xi32, #tpu.memory_space<hbm>>) dst(%arg7 : memref<96xi32, #tpu.memory_space<vmem>>)
    %dma_wait3A_42 = arith.constant 0 : i32
    %dma_wait3A_43 = tpu.memref_slice %arg4[%dma_wait3A_42] : memref<320000xi32, #tpu.memory_space<hbm>> -> memref<96xi32, #tpu.memory_space<hbm>>
    %dma_wait3A_44 = arith.constant 0 : i32
    %dma_wait3A_45 = tpu.memref_slice %arg4[%dma_wait3A_44] : memref<320000xi32, #tpu.memory_space<hbm>> -> memref<96xi32, #tpu.memory_space<hbm>>
    tpu.wait_dma2 semaphore(%arg26 : memref<!tpu.dma_semaphore, #tpu.memory_space<semaphore_mem>>) src(%dma_wait3A_45 : memref<96xi32, #tpu.memory_space<hbm>>) dst(%arg11 : memref<96xi32, #tpu.memory_space<vmem>>)
    %dma_start3A_46 = arith.constant 0 : i32
    %dma_start3A_47 = arith.constant 0 : i32
    %dma_start3A_48 = tpu.memref_slice %arg2[%arg0, %dma_start3A_46, %dma_start3A_47] : memref<2x10000x128xf32, #tpu.memory_space<hbm>> -> memref<1x10000x128xf32, #tpu.memory_space<hbm>>
    %dma_start3A_49 = tpu.memref_squeeze %dma_start3A_48 : memref<1x10000x128xf32, #tpu.memory_space<hbm>> -> memref<10000x128xf32, #tpu.memory_space<hbm>>
    %dma_start3A_50 = arith.constant 0 : i32
    %dma_start3A_51 = arith.constant 0 : i32
    %dma_start3A_52 = tpu.memref_slice %dma_start3A_49[%dma_start3A_50, %dma_start3A_51] : memref<10000x128xf32, #tpu.memory_space<hbm>> -> memref<10000x128xf32, #tpu.memory_space<hbm>>
    tpu.enqueue_indirect_dma source(%dma_start3A_52 : memref<10000x128xf32, #tpu.memory_space<hbm>>) target(%arg15 : memref<96x128xf32, #tpu.memory_space<vmem>>) offsets(%arg7 : memref<96xi32, #tpu.memory_space<vmem>>) semaphore(%arg30 : memref<!tpu.dma_semaphore, #tpu.memory_space<semaphore_mem>>)
    %dma_wait3A_53 = arith.constant 0 : i32
    %dma_wait3A_54 = tpu.memref_slice %arg3[%dma_wait3A_53] : memref<320000xi32, #tpu.memory_space<hbm>> -> memref<96xi32, #tpu.memory_space<hbm>>
    %dma_wait3A_55 = arith.constant 0 : i32
    %dma_wait3A_56 = tpu.memref_slice %arg3[%dma_wait3A_55] : memref<320000xi32, #tpu.memory_space<hbm>> -> memref<96xi32, #tpu.memory_space<hbm>>
    tpu.wait_dma2 semaphore(%arg23 : memref<!tpu.dma_semaphore, #tpu.memory_space<semaphore_mem>>) src(%dma_wait3A_56 : memref<96xi32, #tpu.memory_space<hbm>>) dst(%arg8 : memref<96xi32, #tpu.memory_space<vmem>>)
    %dma_wait3A_57 = arith.constant 0 : i32
    %dma_wait3A_58 = tpu.memref_slice %arg4[%dma_wait3A_57] : memref<320000xi32, #tpu.memory_space<hbm>> -> memref<96xi32, #tpu.memory_space<hbm>>
    %dma_wait3A_59 = arith.constant 0 : i32
    %dma_wait3A_60 = tpu.memref_slice %arg4[%dma_wait3A_59] : memref<320000xi32, #tpu.memory_space<hbm>> -> memref<96xi32, #tpu.memory_space<hbm>>
    tpu.wait_dma2 semaphore(%arg27 : memref<!tpu.dma_semaphore, #tpu.memory_space<semaphore_mem>>) src(%dma_wait3A_60 : memref<96xi32, #tpu.memory_space<hbm>>) dst(%arg12 : memref<96xi32, #tpu.memory_space<vmem>>)
    %dma_start3A_61 = arith.constant 0 : i32
    %dma_start3A_62 = arith.constant 0 : i32
    %dma_start3A_63 = tpu.memref_slice %arg2[%arg0, %dma_start3A_61, %dma_start3A_62] : memref<2x10000x128xf32, #tpu.memory_space<hbm>> -> memref<1x10000x128xf32, #tpu.memory_space<hbm>>
    %dma_start3A_64 = tpu.memref_squeeze %dma_start3A_63 : memref<1x10000x128xf32, #tpu.memory_space<hbm>> -> memref<10000x128xf32, #tpu.memory_space<hbm>>
    %dma_start3A_65 = arith.constant 0 : i32
    %dma_start3A_66 = arith.constant 0 : i32
    %dma_start3A_67 = tpu.memref_slice %dma_start3A_64[%dma_start3A_65, %dma_start3A_66] : memref<10000x128xf32, #tpu.memory_space<hbm>> -> memref<10000x128xf32, #tpu.memory_space<hbm>>
    tpu.enqueue_indirect_dma source(%dma_start3A_67 : memref<10000x128xf32, #tpu.memory_space<hbm>>) target(%arg16 : memref<96x128xf32, #tpu.memory_space<vmem>>) offsets(%arg8 : memref<96xi32, #tpu.memory_space<vmem>>) semaphore(%arg31 : memref<!tpu.dma_semaphore, #tpu.memory_space<semaphore_mem>>)
    %scan3A = arith.constant 0 : i32
    %scan3A_68 = arith.constant 0 : i32
    %scan3A_69 = arith.constant 208 : i32
    %scan3A_70 = arith.addi %scan3A_68, %scan3A_69 : i32
    %scan3A_71 = arith.constant 1 : i32
    scf.for %scan3A_121 = %scan3A_68 to %scan3A_70 step %scan3A_71  : i32 {
      %rem3A = arith.constant 4 : i32
      %rem3A_122 = arith.remsi %scan3A_121, %rem3A : i32
      %eq3A_123 = arith.constant 0 : i32
      %eq3A_124 = arith.cmpi eq, %rem3A_122, %eq3A_123 : i32
      %convert_element_type3A_125 = arith.extui %eq3A_124 : i1 to i32
      %cond3A_126 = arith.constant 0 : i32
      %cond3A_127 = arith.cmpi ne, %convert_element_type3A_125, %cond3A_126 : i32
      scf.if %cond3A_127 {
        %lt3A_143 = arith.constant 206 : i32
        %lt3A_144 = arith.cmpi slt, %scan3A_121, %lt3A_143 : i32
        %convert_element_type3A_145 = arith.extui %lt3A_144 : i1 to i32
        %cond3A_146 = arith.constant 0 : i32
        %cond3A_147 = arith.cmpi ne, %convert_element_type3A_145, %cond3A_146 : i32
        scf.if %cond3A_147 {
          %dma_wait3A_168 = arith.constant 0 : i32
          %dma_wait3A_169 = tpu.memref_slice %arg3[%dma_wait3A_168] : memref<320000xi32, #tpu.memory_space<hbm>> -> memref<96xi32, #tpu.memory_space<hbm>>
          %dma_wait3A_170 = arith.constant 0 : i32
          %dma_wait3A_171 = tpu.memref_slice %arg3[%dma_wait3A_170] : memref<320000xi32, #tpu.memory_space<hbm>> -> memref<96xi32, #tpu.memory_space<hbm>>
          tpu.wait_dma2 semaphore(%arg24 : memref<!tpu.dma_semaphore, #tpu.memory_space<semaphore_mem>>) src(%dma_wait3A_171 : memref<96xi32, #tpu.memory_space<hbm>>) dst(%arg9 : memref<96xi32, #tpu.memory_space<vmem>>)
          %dma_wait3A_172 = arith.constant 0 : i32
          %dma_wait3A_173 = tpu.memref_slice %arg4[%dma_wait3A_172] : memref<320000xi32, #tpu.memory_space<hbm>> -> memref<96xi32, #tpu.memory_space<hbm>>
          %dma_wait3A_174 = arith.constant 0 : i32
          %dma_wait3A_175 = tpu.memref_slice %arg4[%dma_wait3A_174] : memref<320000xi32, #tpu.memory_space<hbm>> -> memref<96xi32, #tpu.memory_space<hbm>>
          tpu.wait_dma2 semaphore(%arg28 : memref<!tpu.dma_semaphore, #tpu.memory_space<semaphore_mem>>) src(%dma_wait3A_175 : memref<96xi32, #tpu.memory_space<hbm>>) dst(%arg13 : memref<96xi32, #tpu.memory_space<vmem>>)
          %dma_start3A_176 = arith.constant 0 : i32
          %dma_start3A_177 = arith.constant 0 : i32
          %dma_start3A_178 = tpu.memref_slice %arg2[%arg0, %dma_start3A_176, %dma_start3A_177] : memref<2x10000x128xf32, #tpu.memory_space<hbm>> -> memref<1x10000x128xf32, #tpu.memory_space<hbm>>
          %dma_start3A_179 = tpu.memref_squeeze %dma_start3A_178 : memref<1x10000x128xf32, #tpu.memory_space<hbm>> -> memref<10000x128xf32, #tpu.memory_space<hbm>>
          %dma_start3A_180 = arith.constant 0 : i32
          %dma_start3A_181 = arith.constant 0 : i32
          %dma_start3A_182 = tpu.memref_slice %dma_start3A_179[%dma_start3A_180, %dma_start3A_181] : memref<10000x128xf32, #tpu.memory_space<hbm>> -> memref<10000x128xf32, #tpu.memory_space<hbm>>
          tpu.enqueue_indirect_dma source(%dma_start3A_182 : memref<10000x128xf32, #tpu.memory_space<hbm>>) target(%arg17 : memref<96x128xf32, #tpu.memory_space<vmem>>) offsets(%arg9 : memref<96xi32, #tpu.memory_space<vmem>>) semaphore(%arg32 : memref<!tpu.dma_semaphore, #tpu.memory_space<semaphore_mem>>)
        } else {
        }
        %dma_wait3A_148 = arith.constant 0 : i32
        %dma_wait3A_149 = arith.constant 0 : i32
        %dma_wait3A_150 = tpu.memref_slice %arg2[%arg0, %dma_wait3A_148, %dma_wait3A_149] : memref<2x10000x128xf32, #tpu.memory_space<hbm>> -> memref<1x10000x128xf32, #tpu.memory_space<hbm>>
        %dma_wait3A_151 = tpu.memref_squeeze %dma_wait3A_150 : memref<1x10000x128xf32, #tpu.memory_space<hbm>> -> memref<10000x128xf32, #tpu.memory_space<hbm>>
        %dma_wait3A_152 = arith.constant 0 : i32
        %dma_wait3A_153 = arith.constant 0 : i32
        %dma_wait3A_154 = tpu.memref_slice %dma_wait3A_151[%dma_wait3A_152, %dma_wait3A_153] : memref<10000x128xf32, #tpu.memory_space<hbm>> -> memref<10000x128xf32, #tpu.memory_space<hbm>>
        tpu.wait_indirect_dma semaphore(%arg30 : memref<!tpu.dma_semaphore, #tpu.memory_space<semaphore_mem>>) src(%dma_wait3A_154 : memref<10000x128xf32, #tpu.memory_space<hbm>>) dst(%arg15 : memref<96x128xf32, #tpu.memory_space<vmem>>)
        %dma_start3A_155 = arith.constant 0 : i32
        %dma_start3A_156 = arith.constant 0 : i32
        %dma_start3A_157 = tpu.memref_slice %arg21[%dma_start3A_155, %dma_start3A_156] : memref<10000x128xf32, #tpu.memory_space<vmem_shared>> -> memref<10000x128xf32, #tpu.memory_space<vmem_shared>>
        tpu.enqueue_indirect_dma source(%arg15 : memref<96x128xf32, #tpu.memory_space<vmem>>) target(%dma_start3A_157 : memref<10000x128xf32, #tpu.memory_space<vmem_shared>>) offsets(%arg11 : memref<96xi32, #tpu.memory_space<vmem>>) semaphore(%arg34 : memref<!tpu.dma_semaphore, #tpu.memory_space<semaphore_mem>>) {add = true}
        %ge3A = arith.constant 1 : i32
        %ge3A_158 = arith.cmpi sge, %scan3A_121, %ge3A : i32
        %convert_element_type3A_159 = arith.extui %ge3A_158 : i1 to i32
        %cond3A_160 = arith.constant 0 : i32
        %cond3A_161 = arith.cmpi ne, %convert_element_type3A_159, %cond3A_160 : i32
        scf.if %cond3A_161 {
          %dma_wait3A_168 = arith.constant 0 : i32
          %dma_wait3A_169 = arith.constant 0 : i32
          %dma_wait3A_170 = tpu.memref_slice %arg21[%dma_wait3A_168, %dma_wait3A_169] : memref<10000x128xf32, #tpu.memory_space<vmem_shared>> -> memref<10000x128xf32, #tpu.memory_space<vmem_shared>>
          tpu.wait_indirect_dma semaphore(%arg37 : memref<!tpu.dma_semaphore, #tpu.memory_space<semaphore_mem>>) src(%arg18 : memref<96x128xf32, #tpu.memory_space<vmem>>) dst(%dma_wait3A_170 : memref<10000x128xf32, #tpu.memory_space<vmem_shared>>)
        } else {
        }
        %ge3A_162 = arith.constant 1 : i32
        %ge3A_163 = arith.cmpi sge, %scan3A_121, %ge3A_162 : i32
        %le3A = arith.constant 204 : i32
        %le3A_164 = arith.cmpi sle, %scan3A_121, %le3A : i32
        %and3A = arith.andi %ge3A_163, %le3A_164 : i1
        %convert_element_type3A_165 = arith.extui %and3A : i1 to i32
        %cond3A_166 = arith.constant 0 : i32
        %cond3A_167 = arith.cmpi ne, %convert_element_type3A_165, %cond3A_166 : i32
        scf.if %cond3A_167 {
          %add3A_168 = arith.constant 3 : i32
          %add3A_169 = arith.addi %scan3A_121, %add3A_168 : i32
          %mul3A_170 = arith.constant 96 : i32
          %mul3A_171 = arith.muli %add3A_169, %mul3A_170 : i32
          %add3A_172 = arith.addi %mul3A_0, %mul3A_171 : i32
          %dma_start3A_173 = tpu.memref_slice %arg3[%add3A_172] : memref<320000xi32, #tpu.memory_space<hbm>> -> memref<96xi32, #tpu.memory_space<hbm>>
          %dma_start3A_174 = tpu.memref_slice %arg3[%add3A_172] : memref<320000xi32, #tpu.memory_space<hbm>> -> memref<96xi32, #tpu.memory_space<hbm>>
          tpu.enqueue_dma source(%dma_start3A_174 : memref<96xi32, #tpu.memory_space<hbm>>) target(%arg10 : memref<96xi32, #tpu.memory_space<vmem>>) target_semaphore(%arg25 : memref<!tpu.dma_semaphore, #tpu.memory_space<semaphore_mem>>)
          %mul3A_175 = arith.constant 96 : i32
          %mul3A_176 = arith.muli %add3A_169, %mul3A_175 : i32
          %add3A_177 = arith.addi %mul3A_0, %mul3A_176 : i32
          %dma_start3A_178 = tpu.memref_slice %arg4[%add3A_177] : memref<320000xi32, #tpu.memory_space<hbm>> -> memref<96xi32, #tpu.memory_space<hbm>>
          %dma_start3A_179 = tpu.memref_slice %arg4[%add3A_177] : memref<320000xi32, #tpu.memory_space<hbm>> -> memref<96xi32, #tpu.memory_space<hbm>>
          tpu.enqueue_dma source(%dma_start3A_179 : memref<96xi32, #tpu.memory_space<hbm>>) target(%arg14 : memref<96xi32, #tpu.memory_space<vmem>>) target_semaphore(%arg29 : memref<!tpu.dma_semaphore, #tpu.memory_space<semaphore_mem>>)
        } else {
        }
      } else {
      }
      %eq3A_128 = arith.constant 1 : i32
      %eq3A_129 = arith.cmpi eq, %rem3A_122, %eq3A_128 : i32
      %convert_element_type3A_130 = arith.extui %eq3A_129 : i1 to i32
      %cond3A_131 = arith.constant 0 : i32
      %cond3A_132 = arith.cmpi ne, %convert_element_type3A_130, %cond3A_131 : i32
      scf.if %cond3A_132 {
        %lt3A_143 = arith.constant 206 : i32
        %lt3A_144 = arith.cmpi slt, %scan3A_121, %lt3A_143 : i32
        %convert_element_type3A_145 = arith.extui %lt3A_144 : i1 to i32
        %cond3A_146 = arith.constant 0 : i32
        %cond3A_147 = arith.cmpi ne, %convert_element_type3A_145, %cond3A_146 : i32
        scf.if %cond3A_147 {
          %dma_wait3A_168 = arith.constant 0 : i32
          %dma_wait3A_169 = tpu.memref_slice %arg3[%dma_wait3A_168] : memref<320000xi32, #tpu.memory_space<hbm>> -> memref<96xi32, #tpu.memory_space<hbm>>
          %dma_wait3A_170 = arith.constant 0 : i32
          %dma_wait3A_171 = tpu.memref_slice %arg3[%dma_wait3A_170] : memref<320000xi32, #tpu.memory_space<hbm>> -> memref<96xi32, #tpu.memory_space<hbm>>
          tpu.wait_dma2 semaphore(%arg25 : memref<!tpu.dma_semaphore, #tpu.memory_space<semaphore_mem>>) src(%dma_wait3A_171 : memref<96xi32, #tpu.memory_space<hbm>>) dst(%arg10 : memref<96xi32, #tpu.memory_space<vmem>>)
          %dma_wait3A_172 = arith.constant 0 : i32
          %dma_wait3A_173 = tpu.memref_slice %arg4[%dma_wait3A_172] : memref<320000xi32, #tpu.memory_space<hbm>> -> memref<96xi32, #tpu.memory_space<hbm>>
          %dma_wait3A_174 = arith.constant 0 : i32
          %dma_wait3A_175 = tpu.memref_slice %arg4[%dma_wait3A_174] : memref<320000xi32, #tpu.memory_space<hbm>> -> memref<96xi32, #tpu.memory_space<hbm>>
          tpu.wait_dma2 semaphore(%arg29 : memref<!tpu.dma_semaphore, #tpu.memory_space<semaphore_mem>>) src(%dma_wait3A_175 : memref<96xi32, #tpu.memory_space<hbm>>) dst(%arg14 : memref<96xi32, #tpu.memory_space<vmem>>)
          %dma_start3A_176 = arith.constant 0 : i32
          %dma_start3A_177 = arith.constant 0 : i32
          %dma_start3A_178 = tpu.memref_slice %arg2[%arg0, %dma_start3A_176, %dma_start3A_177] : memref<2x10000x128xf32, #tpu.memory_space<hbm>> -> memref<1x10000x128xf32, #tpu.memory_space<hbm>>
          %dma_start3A_179 = tpu.memref_squeeze %dma_start3A_178 : memref<1x10000x128xf32, #tpu.memory_space<hbm>> -> memref<10000x128xf32, #tpu.memory_space<hbm>>
          %dma_start3A_180 = arith.constant 0 : i32
          %dma_start3A_181 = arith.constant 0 : i32
          %dma_start3A_182 = tpu.memref_slice %dma_start3A_179[%dma_start3A_180, %dma_start3A_181] : memref<10000x128xf32, #tpu.memory_space<hbm>> -> memref<10000x128xf32, #tpu.memory_space<hbm>>
          tpu.enqueue_indirect_dma source(%dma_start3A_182 : memref<10000x128xf32, #tpu.memory_space<hbm>>) target(%arg18 : memref<96x128xf32, #tpu.memory_space<vmem>>) offsets(%arg10 : memref<96xi32, #tpu.memory_space<vmem>>) semaphore(%arg33 : memref<!tpu.dma_semaphore, #tpu.memory_space<semaphore_mem>>)
        } else {
        }
        %dma_wait3A_148 = arith.constant 0 : i32
        %dma_wait3A_149 = arith.constant 0 : i32
        %dma_wait3A_150 = tpu.memref_slice %arg2[%arg0, %dma_wait3A_148, %dma_wait3A_149] : memref<2x10000x128xf32, #tpu.memory_space<hbm>> -> memref<1x10000x128xf32, #tpu.memory_space<hbm>>
        %dma_wait3A_151 = tpu.memref_squeeze %dma_wait3A_150 : memref<1x10000x128xf32, #tpu.memory_space<hbm>> -> memref<10000x128xf32, #tpu.memory_space<hbm>>
        %dma_wait3A_152 = arith.constant 0 : i32
        %dma_wait3A_153 = arith.constant 0 : i32
        %dma_wait3A_154 = tpu.memref_slice %dma_wait3A_151[%dma_wait3A_152, %dma_wait3A_153] : memref<10000x128xf32, #tpu.memory_space<hbm>> -> memref<10000x128xf32, #tpu.memory_space<hbm>>
        tpu.wait_indirect_dma semaphore(%arg31 : memref<!tpu.dma_semaphore, #tpu.memory_space<semaphore_mem>>) src(%dma_wait3A_154 : memref<10000x128xf32, #tpu.memory_space<hbm>>) dst(%arg16 : memref<96x128xf32, #tpu.memory_space<vmem>>)
        %dma_start3A_155 = arith.constant 0 : i32
        %dma_start3A_156 = arith.constant 0 : i32
        %dma_start3A_157 = tpu.memref_slice %arg21[%dma_start3A_155, %dma_start3A_156] : memref<10000x128xf32, #tpu.memory_space<vmem_shared>> -> memref<10000x128xf32, #tpu.memory_space<vmem_shared>>
        tpu.enqueue_indirect_dma source(%arg16 : memref<96x128xf32, #tpu.memory_space<vmem>>) target(%dma_start3A_157 : memref<10000x128xf32, #tpu.memory_space<vmem_shared>>) offsets(%arg12 : memref<96xi32, #tpu.memory_space<vmem>>) semaphore(%arg35 : memref<!tpu.dma_semaphore, #tpu.memory_space<semaphore_mem>>) {add = true}
        %ge3A = arith.constant 1 : i32
        %ge3A_158 = arith.cmpi sge, %scan3A_121, %ge3A : i32
        %convert_element_type3A_159 = arith.extui %ge3A_158 : i1 to i32
        %cond3A_160 = arith.constant 0 : i32
        %cond3A_161 = arith.cmpi ne, %convert_element_type3A_159, %cond3A_160 : i32
        scf.if %cond3A_161 {
          %dma_wait3A_168 = arith.constant 0 : i32
          %dma_wait3A_169 = arith.constant 0 : i32
          %dma_wait3A_170 = tpu.memref_slice %arg21[%dma_wait3A_168, %dma_wait3A_169] : memref<10000x128xf32, #tpu.memory_space<vmem_shared>> -> memref<10000x128xf32, #tpu.memory_space<vmem_shared>>
          tpu.wait_indirect_dma semaphore(%arg34 : memref<!tpu.dma_semaphore, #tpu.memory_space<semaphore_mem>>) src(%arg15 : memref<96x128xf32, #tpu.memory_space<vmem>>) dst(%dma_wait3A_170 : memref<10000x128xf32, #tpu.memory_space<vmem_shared>>)
        } else {
        }
        %ge3A_162 = arith.constant 1 : i32
        %ge3A_163 = arith.cmpi sge, %scan3A_121, %ge3A_162 : i32
        %le3A = arith.constant 204 : i32
        %le3A_164 = arith.cmpi sle, %scan3A_121, %le3A : i32
        %and3A = arith.andi %ge3A_163, %le3A_164 : i1
        %convert_element_type3A_165 = arith.extui %and3A : i1 to i32
        %cond3A_166 = arith.constant 0 : i32
        %cond3A_167 = arith.cmpi ne, %convert_element_type3A_165, %cond3A_166 : i32
        scf.if %cond3A_167 {
          %add3A_168 = arith.constant 3 : i32
          %add3A_169 = arith.addi %scan3A_121, %add3A_168 : i32
          %mul3A_170 = arith.constant 96 : i32
          %mul3A_171 = arith.muli %add3A_169, %mul3A_170 : i32
          %add3A_172 = arith.addi %mul3A_0, %mul3A_171 : i32
          %dma_start3A_173 = tpu.memref_slice %arg3[%add3A_172] : memref<320000xi32, #tpu.memory_space<hbm>> -> memref<96xi32, #tpu.memory_space<hbm>>
          %dma_start3A_174 = tpu.memref_slice %arg3[%add3A_172] : memref<320000xi32, #tpu.memory_space<hbm>> -> memref<96xi32, #tpu.memory_space<hbm>>
          tpu.enqueue_dma source(%dma_start3A_174 : memref<96xi32, #tpu.memory_space<hbm>>) target(%arg7 : memref<96xi32, #tpu.memory_space<vmem>>) target_semaphore(%arg22 : memref<!tpu.dma_semaphore, #tpu.memory_space<semaphore_mem>>)
          %mul3A_175 = arith.constant 96 : i32
          %mul3A_176 = arith.muli %add3A_169, %mul3A_175 : i32
          %add3A_177 = arith.addi %mul3A_0, %mul3A_176 : i32
          %dma_start3A_178 = tpu.memref_slice %arg4[%add3A_177] : memref<320000xi32, #tpu.memory_space<hbm>> -> memref<96xi32, #tpu.memory_space<hbm>>
          %dma_start3A_179 = tpu.memref_slice %arg4[%add3A_177] : memref<320000xi32, #tpu.memory_space<hbm>> -> memref<96xi32, #tpu.memory_space<hbm>>
          tpu.enqueue_dma source(%dma_start3A_179 : memref<96xi32, #tpu.memory_space<hbm>>) target(%arg11 : memref<96xi32, #tpu.memory_space<vmem>>) target_semaphore(%arg26 : memref<!tpu.dma_semaphore, #tpu.memory_space<semaphore_mem>>)
        } else {
        }
      } else {
      }
      %eq3A_133 = arith.constant 2 : i32
      %eq3A_134 = arith.cmpi eq, %rem3A_122, %eq3A_133 : i32
      %convert_element_type3A_135 = arith.extui %eq3A_134 : i1 to i32
      %cond3A_136 = arith.constant 0 : i32
      %cond3A_137 = arith.cmpi ne, %convert_element_type3A_135, %cond3A_136 : i32
      scf.if %cond3A_137 {
        %lt3A_143 = arith.constant 206 : i32
        %lt3A_144 = arith.cmpi slt, %scan3A_121, %lt3A_143 : i32
        %convert_element_type3A_145 = arith.extui %lt3A_144 : i1 to i32
        %cond3A_146 = arith.constant 0 : i32
        %cond3A_147 = arith.cmpi ne, %convert_element_type3A_145, %cond3A_146 : i32
        scf.if %cond3A_147 {
          %dma_wait3A_168 = arith.constant 0 : i32
          %dma_wait3A_169 = tpu.memref_slice %arg3[%dma_wait3A_168] : memref<320000xi32, #tpu.memory_space<hbm>> -> memref<96xi32, #tpu.memory_space<hbm>>
          %dma_wait3A_170 = arith.constant 0 : i32
          %dma_wait3A_171 = tpu.memref_slice %arg3[%dma_wait3A_170] : memref<320000xi32, #tpu.memory_space<hbm>> -> memref<96xi32, #tpu.memory_space<hbm>>
          tpu.wait_dma2 semaphore(%arg22 : memref<!tpu.dma_semaphore, #tpu.memory_space<semaphore_mem>>) src(%dma_wait3A_171 : memref<96xi32, #tpu.memory_space<hbm>>) dst(%arg7 : memref<96xi32, #tpu.memory_space<vmem>>)
          %dma_wait3A_172 = arith.constant 0 : i32
          %dma_wait3A_173 = tpu.memref_slice %arg4[%dma_wait3A_172] : memref<320000xi32, #tpu.memory_space<hbm>> -> memref<96xi32, #tpu.memory_space<hbm>>
          %dma_wait3A_174 = arith.constant 0 : i32
          %dma_wait3A_175 = tpu.memref_slice %arg4[%dma_wait3A_174] : memref<320000xi32, #tpu.memory_space<hbm>> -> memref<96xi32, #tpu.memory_space<hbm>>
          tpu.wait_dma2 semaphore(%arg26 : memref<!tpu.dma_semaphore, #tpu.memory_space<semaphore_mem>>) src(%dma_wait3A_175 : memref<96xi32, #tpu.memory_space<hbm>>) dst(%arg11 : memref<96xi32, #tpu.memory_space<vmem>>)
          %dma_start3A_176 = arith.constant 0 : i32
          %dma_start3A_177 = arith.constant 0 : i32
          %dma_start3A_178 = tpu.memref_slice %arg2[%arg0, %dma_start3A_176, %dma_start3A_177] : memref<2x10000x128xf32, #tpu.memory_space<hbm>> -> memref<1x10000x128xf32, #tpu.memory_space<hbm>>
          %dma_start3A_179 = tpu.memref_squeeze %dma_start3A_178 : memref<1x10000x128xf32, #tpu.memory_space<hbm>> -> memref<10000x128xf32, #tpu.memory_space<hbm>>
          %dma_start3A_180 = arith.constant 0 : i32
          %dma_start3A_181 = arith.constant 0 : i32
          %dma_start3A_182 = tpu.memref_slice %dma_start3A_179[%dma_start3A_180, %dma_start3A_181] : memref<10000x128xf32, #tpu.memory_space<hbm>> -> memref<10000x128xf32, #tpu.memory_space<hbm>>
          tpu.enqueue_indirect_dma source(%dma_start3A_182 : memref<10000x128xf32, #tpu.memory_space<hbm>>) target(%arg15 : memref<96x128xf32, #tpu.memory_space<vmem>>) offsets(%arg7 : memref<96xi32, #tpu.memory_space<vmem>>) semaphore(%arg30 : memref<!tpu.dma_semaphore, #tpu.memory_space<semaphore_mem>>)
        } else {
        }
        %dma_wait3A_148 = arith.constant 0 : i32
        %dma_wait3A_149 = arith.constant 0 : i32
        %dma_wait3A_150 = tpu.memref_slice %arg2[%arg0, %dma_wait3A_148, %dma_wait3A_149] : memref<2x10000x128xf32, #tpu.memory_space<hbm>> -> memref<1x10000x128xf32, #tpu.memory_space<hbm>>
        %dma_wait3A_151 = tpu.memref_squeeze %dma_wait3A_150 : memref<1x10000x128xf32, #tpu.memory_space<hbm>> -> memref<10000x128xf32, #tpu.memory_space<hbm>>
        %dma_wait3A_152 = arith.constant 0 : i32
        %dma_wait3A_153 = arith.constant 0 : i32
        %dma_wait3A_154 = tpu.memref_slice %dma_wait3A_151[%dma_wait3A_152, %dma_wait3A_153] : memref<10000x128xf32, #tpu.memory_space<hbm>> -> memref<10000x128xf32, #tpu.memory_space<hbm>>
        tpu.wait_indirect_dma semaphore(%arg32 : memref<!tpu.dma_semaphore, #tpu.memory_space<semaphore_mem>>) src(%dma_wait3A_154 : memref<10000x128xf32, #tpu.memory_space<hbm>>) dst(%arg17 : memref<96x128xf32, #tpu.memory_space<vmem>>)
        %dma_start3A_155 = arith.constant 0 : i32
        %dma_start3A_156 = arith.constant 0 : i32
        %dma_start3A_157 = tpu.memref_slice %arg21[%dma_start3A_155, %dma_start3A_156] : memref<10000x128xf32, #tpu.memory_space<vmem_shared>> -> memref<10000x128xf32, #tpu.memory_space<vmem_shared>>
        tpu.enqueue_indirect_dma source(%arg17 : memref<96x128xf32, #tpu.memory_space<vmem>>) target(%dma_start3A_157 : memref<10000x128xf32, #tpu.memory_space<vmem_shared>>) offsets(%arg13 : memref<96xi32, #tpu.memory_space<vmem>>) semaphore(%arg36 : memref<!tpu.dma_semaphore, #tpu.memory_space<semaphore_mem>>) {add = true}
        %ge3A = arith.constant 1 : i32
        %ge3A_158 = arith.cmpi sge, %scan3A_121, %ge3A : i32
        %convert_element_type3A_159 = arith.extui %ge3A_158 : i1 to i32
        %cond3A_160 = arith.constant 0 : i32
        %cond3A_161 = arith.cmpi ne, %convert_element_type3A_159, %cond3A_160 : i32
        scf.if %cond3A_161 {
          %dma_wait3A_168 = arith.constant 0 : i32
          %dma_wait3A_169 = arith.constant 0 : i32
          %dma_wait3A_170 = tpu.memref_slice %arg21[%dma_wait3A_168, %dma_wait3A_169] : memref<10000x128xf32, #tpu.memory_space<vmem_shared>> -> memref<10000x128xf32, #tpu.memory_space<vmem_shared>>
          tpu.wait_indirect_dma semaphore(%arg35 : memref<!tpu.dma_semaphore, #tpu.memory_space<semaphore_mem>>) src(%arg16 : memref<96x128xf32, #tpu.memory_space<vmem>>) dst(%dma_wait3A_170 : memref<10000x128xf32, #tpu.memory_space<vmem_shared>>)
        } else {
        }
        %ge3A_162 = arith.constant 1 : i32
        %ge3A_163 = arith.cmpi sge, %scan3A_121, %ge3A_162 : i32
        %le3A = arith.constant 204 : i32
        %le3A_164 = arith.cmpi sle, %scan3A_121, %le3A : i32
        %and3A = arith.andi %ge3A_163, %le3A_164 : i1
        %convert_element_type3A_165 = arith.extui %and3A : i1 to i32
        %cond3A_166 = arith.constant 0 : i32
        %cond3A_167 = arith.cmpi ne, %convert_element_type3A_165, %cond3A_166 : i32
        scf.if %cond3A_167 {
          %add3A_168 = arith.constant 3 : i32
          %add3A_169 = arith.addi %scan3A_121, %add3A_168 : i32
          %mul3A_170 = arith.constant 96 : i32
          %mul3A_171 = arith.muli %add3A_169, %mul3A_170 : i32
          %add3A_172 = arith.addi %mul3A_0, %mul3A_171 : i32
          %dma_start3A_173 = tpu.memref_slice %arg3[%add3A_172] : memref<320000xi32, #tpu.memory_space<hbm>> -> memref<96xi32, #tpu.memory_space<hbm>>
          %dma_start3A_174 = tpu.memref_slice %arg3[%add3A_172] : memref<320000xi32, #tpu.memory_space<hbm>> -> memref<96xi32, #tpu.memory_space<hbm>>
          tpu.enqueue_dma source(%dma_start3A_174 : memref<96xi32, #tpu.memory_space<hbm>>) target(%arg8 : memref<96xi32, #tpu.memory_space<vmem>>) target_semaphore(%arg23 : memref<!tpu.dma_semaphore, #tpu.memory_space<semaphore_mem>>)
          %mul3A_175 = arith.constant 96 : i32
          %mul3A_176 = arith.muli %add3A_169, %mul3A_175 : i32
          %add3A_177 = arith.addi %mul3A_0, %mul3A_176 : i32
          %dma_start3A_178 = tpu.memref_slice %arg4[%add3A_177] : memref<320000xi32, #tpu.memory_space<hbm>> -> memref<96xi32, #tpu.memory_space<hbm>>
          %dma_start3A_179 = tpu.memref_slice %arg4[%add3A_177] : memref<320000xi32, #tpu.memory_space<hbm>> -> memref<96xi32, #tpu.memory_space<hbm>>
          tpu.enqueue_dma source(%dma_start3A_179 : memref<96xi32, #tpu.memory_space<hbm>>) target(%arg12 : memref<96xi32, #tpu.memory_space<vmem>>) target_semaphore(%arg27 : memref<!tpu.dma_semaphore, #tpu.memory_space<semaphore_mem>>)
        } else {
        }
      } else {
      }
      %eq3A_138 = arith.constant 3 : i32
      %eq3A_139 = arith.cmpi eq, %rem3A_122, %eq3A_138 : i32
      %convert_element_type3A_140 = arith.extui %eq3A_139 : i1 to i32
      %cond3A_141 = arith.constant 0 : i32
      %cond3A_142 = arith.cmpi ne, %convert_element_type3A_140, %cond3A_141 : i32
      scf.if %cond3A_142 {
        %lt3A_143 = arith.constant 206 : i32
        %lt3A_144 = arith.cmpi slt, %scan3A_121, %lt3A_143 : i32
        %convert_element_type3A_145 = arith.extui %lt3A_144 : i1 to i32
        %cond3A_146 = arith.constant 0 : i32
        %cond3A_147 = arith.cmpi ne, %convert_element_type3A_145, %cond3A_146 : i32
        scf.if %cond3A_147 {
          %dma_wait3A_168 = arith.constant 0 : i32
          %dma_wait3A_169 = tpu.memref_slice %arg3[%dma_wait3A_168] : memref<320000xi32, #tpu.memory_space<hbm>> -> memref<96xi32, #tpu.memory_space<hbm>>
          %dma_wait3A_170 = arith.constant 0 : i32
          %dma_wait3A_171 = tpu.memref_slice %arg3[%dma_wait3A_170] : memref<320000xi32, #tpu.memory_space<hbm>> -> memref<96xi32, #tpu.memory_space<hbm>>
          tpu.wait_dma2 semaphore(%arg23 : memref<!tpu.dma_semaphore, #tpu.memory_space<semaphore_mem>>) src(%dma_wait3A_171 : memref<96xi32, #tpu.memory_space<hbm>>) dst(%arg8 : memref<96xi32, #tpu.memory_space<vmem>>)
          %dma_wait3A_172 = arith.constant 0 : i32
          %dma_wait3A_173 = tpu.memref_slice %arg4[%dma_wait3A_172] : memref<320000xi32, #tpu.memory_space<hbm>> -> memref<96xi32, #tpu.memory_space<hbm>>
          %dma_wait3A_174 = arith.constant 0 : i32
          %dma_wait3A_175 = tpu.memref_slice %arg4[%dma_wait3A_174] : memref<320000xi32, #tpu.memory_space<hbm>> -> memref<96xi32, #tpu.memory_space<hbm>>
          tpu.wait_dma2 semaphore(%arg27 : memref<!tpu.dma_semaphore, #tpu.memory_space<semaphore_mem>>) src(%dma_wait3A_175 : memref<96xi32, #tpu.memory_space<hbm>>) dst(%arg12 : memref<96xi32, #tpu.memory_space<vmem>>)
          %dma_start3A_176 = arith.constant 0 : i32
          %dma_start3A_177 = arith.constant 0 : i32
          %dma_start3A_178 = tpu.memref_slice %arg2[%arg0, %dma_start3A_176, %dma_start3A_177] : memref<2x10000x128xf32, #tpu.memory_space<hbm>> -> memref<1x10000x128xf32, #tpu.memory_space<hbm>>
          %dma_start3A_179 = tpu.memref_squeeze %dma_start3A_178 : memref<1x10000x128xf32, #tpu.memory_space<hbm>> -> memref<10000x128xf32, #tpu.memory_space<hbm>>
          %dma_start3A_180 = arith.constant 0 : i32
          %dma_start3A_181 = arith.constant 0 : i32
          %dma_start3A_182 = tpu.memref_slice %dma_start3A_179[%dma_start3A_180, %dma_start3A_181] : memref<10000x128xf32, #tpu.memory_space<hbm>> -> memref<10000x128xf32, #tpu.memory_space<hbm>>
          tpu.enqueue_indirect_dma source(%dma_start3A_182 : memref<10000x128xf32, #tpu.memory_space<hbm>>) target(%arg16 : memref<96x128xf32, #tpu.memory_space<vmem>>) offsets(%arg8 : memref<96xi32, #tpu.memory_space<vmem>>) semaphore(%arg31 : memref<!tpu.dma_semaphore, #tpu.memory_space<semaphore_mem>>)
        } else {
        }
        %dma_wait3A_148 = arith.constant 0 : i32
        %dma_wait3A_149 = arith.constant 0 : i32
        %dma_wait3A_150 = tpu.memref_slice %arg2[%arg0, %dma_wait3A_148, %dma_wait3A_149] : memref<2x10000x128xf32, #tpu.memory_space<hbm>> -> memref<1x10000x128xf32, #tpu.memory_space<hbm>>
        %dma_wait3A_151 = tpu.memref_squeeze %dma_wait3A_150 : memref<1x10000x128xf32, #tpu.memory_space<hbm>> -> memref<10000x128xf32, #tpu.memory_space<hbm>>
        %dma_wait3A_152 = arith.constant 0 : i32
        %dma_wait3A_153 = arith.constant 0 : i32
        %dma_wait3A_154 = tpu.memref_slice %dma_wait3A_151[%dma_wait3A_152, %dma_wait3A_153] : memref<10000x128xf32, #tpu.memory_space<hbm>> -> memref<10000x128xf32, #tpu.memory_space<hbm>>
        tpu.wait_indirect_dma semaphore(%arg33 : memref<!tpu.dma_semaphore, #tpu.memory_space<semaphore_mem>>) src(%dma_wait3A_154 : memref<10000x128xf32, #tpu.memory_space<hbm>>) dst(%arg18 : memref<96x128xf32, #tpu.memory_space<vmem>>)
        %dma_start3A_155 = arith.constant 0 : i32
        %dma_start3A_156 = arith.constant 0 : i32
        %dma_start3A_157 = tpu.memref_slice %arg21[%dma_start3A_155, %dma_start3A_156] : memref<10000x128xf32, #tpu.memory_space<vmem_shared>> -> memref<10000x128xf32, #tpu.memory_space<vmem_shared>>
        tpu.enqueue_indirect_dma source(%arg18 : memref<96x128xf32, #tpu.memory_space<vmem>>) target(%dma_start3A_157 : memref<10000x128xf32, #tpu.memory_space<vmem_shared>>) offsets(%arg14 : memref<96xi32, #tpu.memory_space<vmem>>) semaphore(%arg37 : memref<!tpu.dma_semaphore, #tpu.memory_space<semaphore_mem>>) {add = true}
        %ge3A = arith.constant 1 : i32
        %ge3A_158 = arith.cmpi sge, %scan3A_121, %ge3A : i32
        %convert_element_type3A_159 = arith.extui %ge3A_158 : i1 to i32
        %cond3A_160 = arith.constant 0 : i32
        %cond3A_161 = arith.cmpi ne, %convert_element_type3A_159, %cond3A_160 : i32
        scf.if %cond3A_161 {
          %dma_wait3A_168 = arith.constant 0 : i32
          %dma_wait3A_169 = arith.constant 0 : i32
          %dma_wait3A_170 = tpu.memref_slice %arg21[%dma_wait3A_168, %dma_wait3A_169] : memref<10000x128xf32, #tpu.memory_space<vmem_shared>> -> memref<10000x128xf32, #tpu.memory_space<vmem_shared>>
          tpu.wait_indirect_dma semaphore(%arg36 : memref<!tpu.dma_semaphore, #tpu.memory_space<semaphore_mem>>) src(%arg17 : memref<96x128xf32, #tpu.memory_space<vmem>>) dst(%dma_wait3A_170 : memref<10000x128xf32, #tpu.memory_space<vmem_shared>>)
        } else {
        }
        %ge3A_162 = arith.constant 1 : i32
        %ge3A_163 = arith.cmpi sge, %scan3A_121, %ge3A_162 : i32
        %le3A = arith.constant 204 : i32
        %le3A_164 = arith.cmpi sle, %scan3A_121, %le3A : i32
        %and3A = arith.andi %ge3A_163, %le3A_164 : i1
        %convert_element_type3A_165 = arith.extui %and3A : i1 to i32
        %cond3A_166 = arith.constant 0 : i32
        %cond3A_167 = arith.cmpi ne, %convert_element_type3A_165, %cond3A_166 : i32
        scf.if %cond3A_167 {
          %add3A_168 = arith.constant 3 : i32
          %add3A_169 = arith.addi %scan3A_121, %add3A_168 : i32
          %mul3A_170 = arith.constant 96 : i32
          %mul3A_171 = arith.muli %add3A_169, %mul3A_170 : i32
          %add3A_172 = arith.addi %mul3A_0, %mul3A_171 : i32
          %dma_start3A_173 = tpu.memref_slice %arg3[%add3A_172] : memref<320000xi32, #tpu.memory_space<hbm>> -> memref<96xi32, #tpu.memory_space<hbm>>
          %dma_start3A_174 = tpu.memref_slice %arg3[%add3A_172] : memref<320000xi32, #tpu.memory_space<hbm>> -> memref<96xi32, #tpu.memory_space<hbm>>
          tpu.enqueue_dma source(%dma_start3A_174 : memref<96xi32, #tpu.memory_space<hbm>>) target(%arg9 : memref<96xi32, #tpu.memory_space<vmem>>) target_semaphore(%arg24 : memref<!tpu.dma_semaphore, #tpu.memory_space<semaphore_mem>>)
          %mul3A_175 = arith.constant 96 : i32
          %mul3A_176 = arith.muli %add3A_169, %mul3A_175 : i32
          %add3A_177 = arith.addi %mul3A_0, %mul3A_176 : i32
          %dma_start3A_178 = tpu.memref_slice %arg4[%add3A_177] : memref<320000xi32, #tpu.memory_space<hbm>> -> memref<96xi32, #tpu.memory_space<hbm>>
          %dma_start3A_179 = tpu.memref_slice %arg4[%add3A_177] : memref<320000xi32, #tpu.memory_space<hbm>> -> memref<96xi32, #tpu.memory_space<hbm>>
          tpu.enqueue_dma source(%dma_start3A_179 : memref<96xi32, #tpu.memory_space<hbm>>) target(%arg13 : memref<96xi32, #tpu.memory_space<vmem>>) target_semaphore(%arg28 : memref<!tpu.dma_semaphore, #tpu.memory_space<semaphore_mem>>)
        } else {
        }
      } else {
      }
    }
    %scan3A_72 = arith.constant 208 : i32
    %dma_wait3A_73 = arith.constant 0 : i32
    %dma_wait3A_74 = arith.constant 0 : i32
    %dma_wait3A_75 = tpu.memref_slice %arg21[%dma_wait3A_73, %dma_wait3A_74] : memref<10000x128xf32, #tpu.memory_space<vmem_shared>> -> memref<10000x128xf32, #tpu.memory_space<vmem_shared>>
    tpu.wait_indirect_dma semaphore(%arg37 : memref<!tpu.dma_semaphore, #tpu.memory_space<semaphore_mem>>) src(%arg18 : memref<96x128xf32, #tpu.memory_space<vmem>>) dst(%dma_wait3A_75 : memref<10000x128xf32, #tpu.memory_space<vmem_shared>>)
    %add3A_76 = arith.constant 19968 : i32
    %add3A_77 = arith.addi %mul3A_0, %add3A_76 : i32
    "tpu.region"() ({
      %run_scoped3A = tpu.sem_alloc : memref<!tpu.dma_semaphore, #tpu.memory_space<semaphore_mem>>
      %dma_start3A_121 = tpu.memref_slice %arg3[%add3A_77] : memref<320000xi32, #tpu.memory_space<hbm>> -> memref<32xi32, #tpu.memory_space<hbm>>
      %dma_start3A_122 = tpu.memref_slice %arg3[%add3A_77] : memref<320000xi32, #tpu.memory_space<hbm>> -> memref<32xi32, #tpu.memory_space<hbm>>
      tpu.enqueue_dma source(%dma_start3A_122 : memref<32xi32, #tpu.memory_space<hbm>>) target(%arg19 : memref<32xi32, #tpu.memory_space<vmem>>) target_semaphore(%run_scoped3A : memref<!tpu.dma_semaphore, #tpu.memory_space<semaphore_mem>>)
      %dma_wait3A_123 = tpu.memref_slice %arg3[%add3A_77] : memref<320000xi32, #tpu.memory_space<hbm>> -> memref<32xi32, #tpu.memory_space<hbm>>
      %dma_wait3A_124 = tpu.memref_slice %arg3[%add3A_77] : memref<320000xi32, #tpu.memory_space<hbm>> -> memref<32xi32, #tpu.memory_space<hbm>>
      tpu.wait_dma2 semaphore(%run_scoped3A : memref<!tpu.dma_semaphore, #tpu.memory_space<semaphore_mem>>) src(%dma_wait3A_124 : memref<32xi32, #tpu.memory_space<hbm>>) dst(%arg19 : memref<32xi32, #tpu.memory_space<vmem>>)
      tpu.yield
    }) : () -> ()
    "tpu.region"() ({
      %run_scoped3A = tpu.sem_alloc : memref<!tpu.dma_semaphore, #tpu.memory_space<semaphore_mem>>
      %dma_start3A_121 = tpu.memref_slice %arg4[%add3A_77] : memref<320000xi32, #tpu.memory_space<hbm>> -> memref<32xi32, #tpu.memory_space<hbm>>
      %dma_start3A_122 = tpu.memref_slice %arg4[%add3A_77] : memref<320000xi32, #tpu.memory_space<hbm>> -> memref<32xi32, #tpu.memory_space<hbm>>
      tpu.enqueue_dma source(%dma_start3A_122 : memref<32xi32, #tpu.memory_space<hbm>>) target(%arg20 : memref<32xi32, #tpu.memory_space<vmem>>) target_semaphore(%run_scoped3A : memref<!tpu.dma_semaphore, #tpu.memory_space<semaphore_mem>>)
      %dma_wait3A_123 = tpu.memref_slice %arg4[%add3A_77] : memref<320000xi32, #tpu.memory_space<hbm>> -> memref<32xi32, #tpu.memory_space<hbm>>
      %dma_wait3A_124 = tpu.memref_slice %arg4[%add3A_77] : memref<320000xi32, #tpu.memory_space<hbm>> -> memref<32xi32, #tpu.memory_space<hbm>>
      tpu.wait_dma2 semaphore(%run_scoped3A : memref<!tpu.dma_semaphore, #tpu.memory_space<semaphore_mem>>) src(%dma_wait3A_124 : memref<32xi32, #tpu.memory_space<hbm>>) dst(%arg20 : memref<32xi32, #tpu.memory_space<vmem>>)
      tpu.yield
    }) : () -> ()
    %dma_start3A_78 = arith.constant 0 : i32
    %dma_start3A_79 = arith.constant 0 : i32
    %dma_start3A_80 = tpu.memref_slice %arg15[%dma_start3A_78, %dma_start3A_79] : memref<96x128xf32, #tpu.memory_space<vmem>> -> memref<32x128xf32, #tpu.memory_space<vmem>>
    %dma_start3A_81 = arith.constant 0 : i32
    %dma_start3A_82 = arith.constant 0 : i32
    %dma_start3A_83 = tpu.memref_slice %arg2[%arg0, %dma_start3A_81, %dma_start3A_82] : memref<2x10000x128xf32, #tpu.memory_space<hbm>> -> memref<1x10000x128xf32, #tpu.memory_space<hbm>>
    %dma_start3A_84 = tpu.memref_squeeze %dma_start3A_83 : memref<1x10000x128xf32, #tpu.memory_space<hbm>> -> memref<10000x128xf32, #tpu.memory_space<hbm>>
    %dma_start3A_85 = arith.constant 0 : i32
    %dma_start3A_86 = arith.constant 0 : i32
    %dma_start3A_87 = tpu.memref_slice %dma_start3A_84[%dma_start3A_85, %dma_start3A_86] : memref<10000x128xf32, #tpu.memory_space<hbm>> -> memref<10000x128xf32, #tpu.memory_space<hbm>>
    tpu.enqueue_indirect_dma source(%dma_start3A_87 : memref<10000x128xf32, #tpu.memory_space<hbm>>) target(%dma_start3A_80 : memref<32x128xf32, #tpu.memory_space<vmem>>) offsets(%arg19 : memref<32xi32, #tpu.memory_space<vmem>>) semaphore(%arg30 : memref<!tpu.dma_semaphore, #tpu.memory_space<semaphore_mem>>)
    %dma_wait3A_88 = arith.constant 0 : i32
    %dma_wait3A_89 = arith.constant 0 : i32
    %dma_wait3A_90 = tpu.memref_slice %arg15[%dma_wait3A_88, %dma_wait3A_89] : memref<96x128xf32, #tpu.memory_space<vmem>> -> memref<32x128xf32, #tpu.memory_space<vmem>>
    %dma_wait3A_91 = arith.constant 0 : i32
    %dma_wait3A_92 = arith.constant 0 : i32
    %dma_wait3A_93 = tpu.memref_slice %arg2[%arg0, %dma_wait3A_91, %dma_wait3A_92] : memref<2x10000x128xf32, #tpu.memory_space<hbm>> -> memref<1x10000x128xf32, #tpu.memory_space<hbm>>
    %dma_wait3A_94 = tpu.memref_squeeze %dma_wait3A_93 : memref<1x10000x128xf32, #tpu.memory_space<hbm>> -> memref<10000x128xf32, #tpu.memory_space<hbm>>
    %dma_wait3A_95 = arith.constant 0 : i32
    %dma_wait3A_96 = arith.constant 0 : i32
    %dma_wait3A_97 = tpu.memref_slice %dma_wait3A_94[%dma_wait3A_95, %dma_wait3A_96] : memref<10000x128xf32, #tpu.memory_space<hbm>> -> memref<10000x128xf32, #tpu.memory_space<hbm>>
    tpu.wait_indirect_dma semaphore(%arg30 : memref<!tpu.dma_semaphore, #tpu.memory_space<semaphore_mem>>) src(%dma_wait3A_97 : memref<10000x128xf32, #tpu.memory_space<hbm>>) dst(%dma_wait3A_90 : memref<32x128xf32, #tpu.memory_space<vmem>>)
    %dma_start3A_98 = arith.constant 0 : i32
    %dma_start3A_99 = arith.constant 0 : i32
    %dma_start3A_100 = tpu.memref_slice %arg15[%dma_start3A_98, %dma_start3A_99] : memref<96x128xf32, #tpu.memory_space<vmem>> -> memref<32x128xf32, #tpu.memory_space<vmem>>
    %dma_start3A_101 = arith.constant 0 : i32
    %dma_start3A_102 = arith.constant 0 : i32
    %dma_start3A_103 = tpu.memref_slice %arg21[%dma_start3A_101, %dma_start3A_102] : memref<10000x128xf32, #tpu.memory_space<vmem_shared>> -> memref<10000x128xf32, #tpu.memory_space<vmem_shared>>
    tpu.enqueue_indirect_dma source(%dma_start3A_100 : memref<32x128xf32, #tpu.memory_space<vmem>>) target(%dma_start3A_103 : memref<10000x128xf32, #tpu.memory_space<vmem_shared>>) offsets(%arg20 : memref<32xi32, #tpu.memory_space<vmem>>) semaphore(%arg34 : memref<!tpu.dma_semaphore, #tpu.memory_space<semaphore_mem>>) {add = true}
    %dma_wait3A_104 = arith.constant 0 : i32
    %dma_wait3A_105 = arith.constant 0 : i32
    %dma_wait3A_106 = tpu.memref_slice %arg15[%dma_wait3A_104, %dma_wait3A_105] : memref<96x128xf32, #tpu.memory_space<vmem>> -> memref<32x128xf32, #tpu.memory_space<vmem>>
    %dma_wait3A_107 = arith.constant 0 : i32
    %dma_wait3A_108 = arith.constant 0 : i32
    %dma_wait3A_109 = tpu.memref_slice %arg21[%dma_wait3A_107, %dma_wait3A_108] : memref<10000x128xf32, #tpu.memory_space<vmem_shared>> -> memref<10000x128xf32, #tpu.memory_space<vmem_shared>>
    tpu.wait_indirect_dma semaphore(%arg34 : memref<!tpu.dma_semaphore, #tpu.memory_space<semaphore_mem>>) src(%dma_wait3A_106 : memref<32x128xf32, #tpu.memory_space<vmem>>) dst(%dma_wait3A_109 : memref<10000x128xf32, #tpu.memory_space<vmem_shared>>)
    %barrier3A_110 = arith.constant 0 : index
    tpu.barrier barrier_id(%barrier3A_110)
    %lt3A_111 = arith.constant 15 : i32
    %lt3A_112 = arith.cmpi slt, %arg1, %lt3A_111 : i32
    %convert_element_type3A_113 = arith.extui %lt3A_112 : i1 to i32
    %cond3A_114 = arith.constant 0 : i32
    %cond3A_115 = arith.cmpi ne, %convert_element_type3A_113, %cond3A_114 : i32
    scf.if %cond3A_115 {
      "tpu.region"() ({
        %run_scoped3A = tpu.sem_alloc : memref<!tpu.dma_semaphore, #tpu.memory_space<semaphore_mem>>
        %dma_start3A_121 = arith.constant 0 : i32
        %dma_start3A_122 = arith.constant 0 : i32
        %dma_start3A_123 = tpu.memref_slice %arg6[%arg0, %dma_start3A_121, %dma_start3A_122] : memref<2x10000x128xf32, #tpu.memory_space<hbm>> -> memref<1x10000x128xf32, #tpu.memory_space<hbm>>
        %dma_start3A_124 = tpu.memref_squeeze %dma_start3A_123 : memref<1x10000x128xf32, #tpu.memory_space<hbm>> -> memref<10000x128xf32, #tpu.memory_space<hbm>>
        %dma_start3A_125 = arith.constant 0 : i32
        %dma_start3A_126 = tpu.memref_slice %dma_start3A_124[%mul3A_2, %dma_start3A_125] : memref<10000x128xf32, #tpu.memory_space<hbm>> -> memref<624x128xf32, #tpu.memory_space<hbm>>
        %dma_start3A_127 = arith.constant 0 : i32
        %dma_start3A_128 = tpu.memref_slice %arg21[%mul3A_2, %dma_start3A_127] : memref<10000x128xf32, #tpu.memory_space<vmem_shared>> -> memref<624x128xf32, #tpu.memory_space<vmem_shared>>
        tpu.enqueue_dma source(%dma_start3A_128 : memref<624x128xf32, #tpu.memory_space<vmem_shared>>) target(%dma_start3A_126 : memref<624x128xf32, #tpu.memory_space<hbm>>) target_semaphore(%run_scoped3A : memref<!tpu.dma_semaphore, #tpu.memory_space<semaphore_mem>>)
        %dma_wait3A_129 = arith.constant 0 : i32
        %dma_wait3A_130 = arith.constant 0 : i32
        %dma_wait3A_131 = tpu.memref_slice %arg6[%arg0, %dma_wait3A_129, %dma_wait3A_130] : memref<2x10000x128xf32, #tpu.memory_space<hbm>> -> memref<1x10000x128xf32, #tpu.memory_space<hbm>>
        %dma_wait3A_132 = tpu.memref_squeeze %dma_wait3A_131 : memref<1x10000x128xf32, #tpu.memory_space<hbm>> -> memref<10000x128xf32, #tpu.memory_space<hbm>>
        %dma_wait3A_133 = arith.constant 0 : i32
        %dma_wait3A_134 = tpu.memref_slice %dma_wait3A_132[%mul3A_2, %dma_wait3A_133] : memref<10000x128xf32, #tpu.memory_space<hbm>> -> memref<624x128xf32, #tpu.memory_space<hbm>>
        %dma_wait3A_135 = arith.constant 0 : i32
        %dma_wait3A_136 = tpu.memref_slice %arg21[%mul3A_2, %dma_wait3A_135] : memref<10000x128xf32, #tpu.memory_space<vmem_shared>> -> memref<624x128xf32, #tpu.memory_space<vmem_shared>>
        tpu.wait_dma2 semaphore(%run_scoped3A : memref<!tpu.dma_semaphore, #tpu.memory_space<semaphore_mem>>) src(%dma_wait3A_136 : memref<624x128xf32, #tpu.memory_space<vmem_shared>>) dst(%dma_wait3A_134 : memref<624x128xf32, #tpu.memory_space<hbm>>)
        tpu.yield
      }) : () -> ()
    } else {
    }
    %eq3A_116 = arith.constant 15 : i32
    %eq3A_117 = arith.cmpi eq, %arg1, %eq3A_116 : i32
    %convert_element_type3A_118 = arith.extui %eq3A_117 : i1 to i32
    %cond3A_119 = arith.constant 0 : i32
    %cond3A_120 = arith.cmpi ne, %convert_element_type3A_118, %cond3A_119 : i32
    scf.if %cond3A_120 {
      "tpu.region"() ({
        %run_scoped3A = tpu.sem_alloc : memref<!tpu.dma_semaphore, #tpu.memory_space<semaphore_mem>>
        %dma_start3A_121 = arith.constant 0 : i32
        %dma_start3A_122 = arith.constant 0 : i32
        %dma_start3A_123 = tpu.memref_slice %arg6[%arg0, %dma_start3A_121, %dma_start3A_122] : memref<2x10000x128xf32, #tpu.memory_space<hbm>> -> memref<1x10000x128xf32, #tpu.memory_space<hbm>>
        %dma_start3A_124 = tpu.memref_squeeze %dma_start3A_123 : memref<1x10000x128xf32, #tpu.memory_space<hbm>> -> memref<10000x128xf32, #tpu.memory_space<hbm>>
        %dma_start3A_125 = arith.constant 0 : i32
        %dma_start3A_126 = tpu.memref_slice %dma_start3A_124[%mul3A_2, %dma_start3A_125] : memref<10000x128xf32, #tpu.memory_space<hbm>> -> memref<640x128xf32, #tpu.memory_space<hbm>>
        %dma_start3A_127 = arith.constant 0 : i32
        %dma_start3A_128 = tpu.memref_slice %arg21[%mul3A_2, %dma_start3A_127] : memref<10000x128xf32, #tpu.memory_space<vmem_shared>> -> memref<640x128xf32, #tpu.memory_space<vmem_shared>>
        tpu.enqueue_dma source(%dma_start3A_128 : memref<640x128xf32, #tpu.memory_space<vmem_shared>>) target(%dma_start3A_126 : memref<640x128xf32, #tpu.memory_space<hbm>>) target_semaphore(%run_scoped3A : memref<!tpu.dma_semaphore, #tpu.memory_space<semaphore_mem>>)
        %dma_wait3A_129 = arith.constant 0 : i32
        %dma_wait3A_130 = arith.constant 0 : i32
        %dma_wait3A_131 = tpu.memref_slice %arg6[%arg0, %dma_wait3A_129, %dma_wait3A_130] : memref<2x10000x128xf32, #tpu.memory_space<hbm>> -> memref<1x10000x128xf32, #tpu.memory_space<hbm>>
        %dma_wait3A_132 = tpu.memref_squeeze %dma_wait3A_131 : memref<1x10000x128xf32, #tpu.memory_space<hbm>> -> memref<10000x128xf32, #tpu.memory_space<hbm>>
        %dma_wait3A_133 = arith.constant 0 : i32
        %dma_wait3A_134 = tpu.memref_slice %dma_wait3A_132[%mul3A_2, %dma_wait3A_133] : memref<10000x128xf32, #tpu.memory_space<hbm>> -> memref<640x128xf32, #tpu.memory_space<hbm>>
        %dma_wait3A_135 = arith.constant 0 : i32
        %dma_wait3A_136 = tpu.memref_slice %arg21[%mul3A_2, %dma_wait3A_135] : memref<10000x128xf32, #tpu.memory_space<vmem_shared>> -> memref<640x128xf32, #tpu.memory_space<vmem_shared>>
        tpu.wait_dma2 semaphore(%run_scoped3A : memref<!tpu.dma_semaphore, #tpu.memory_space<semaphore_mem>>) src(%dma_wait3A_136 : memref<640x128xf32, #tpu.memory_space<vmem_shared>>) dst(%dma_wait3A_134 : memref<640x128xf32, #tpu.memory_space<hbm>>)
        tpu.yield
      }) : () -> ()
    } else {
    }
    return
  }
}

module attributes {stable_mosaic.version = 14 : i64} {
  func.func @_enc_body(%arg0: i32, %arg1: memref<1000x128xf32, #tpu.memory_space<vmem>>, %arg2: memref<128x256xf32, #tpu.memory_space<vmem>>, %arg3: memref<1x256xf32, #tpu.memory_space<vmem>>, %arg4: memref<2x1000x128xf32, #tpu.memory_space<vmem>>) attributes {dimension_semantics = [#tpu.dimension_semantics<arbitrary>], iteration_bounds = array<i64: 10>, scalar_prefetch = 0 : i64, scratch_operands = 0 : i64, tpu.core_type = #tpu.core_type<tc>, window_params = [{transform_indices = @transform_0, window_bounds = array<i64: 1000, 128>}, {pipeline_mode = #tpu.pipeline_mode<synchronous>, transform_indices = @transform_1, window_bounds = array<i64: 128, 256>}, {pipeline_mode = #tpu.pipeline_mode<synchronous>, transform_indices = @transform_2, window_bounds = array<i64: 1, 256>}, {transform_indices = @transform_3, window_bounds = array<i64: 2, 1000, 128>}]} {
    %get3A = arith.constant 0 : index
    %get3A_0 = arith.constant 0 : index
    %get3A_1 = vector.load %arg1[%get3A, %get3A_0] : memref<1000x128xf32, #tpu.memory_space<vmem>>, vector<1000x128xf32>
    %get3A_2 = arith.constant 0 : index
    %get3A_3 = arith.constant 0 : index
    %get3A_4 = vector.load %arg2[%get3A_2, %get3A_3] : memref<128x256xf32, #tpu.memory_space<vmem>>, vector<128x256xf32>
    %dot_general3A = arith.constant dense<0.000000e+00> : vector<1000x256xf32>
    %dot_general3A_5 = tpu.matmul %get3A_1, %get3A_4, %dot_general3A {dimension_numbers = #tpu.dot_dimension_numbers<[1], [0], [0], [1], [0, 0, 1, 1], [], []>, transpose_lhs_hint = false} : vector<1000x128xf32>, vector<128x256xf32>, vector<1000x256xf32> -> vector<1000x256xf32>
    %get3A_6 = arith.constant 0 : index
    %get3A_7 = arith.constant 0 : index
    %get3A_8 = vector.load %arg3[%get3A_6, %get3A_7] : memref<1x256xf32, #tpu.memory_space<vmem>>, vector<1x256xf32>
    %add3A = vector.broadcast %get3A_8 : vector<1x256xf32> to vector<1000x256xf32>
    %add3A_9 = arith.addf %dot_general3A_5, %add3A : vector<1000x256xf32>
    %max3A = arith.constant 0.000000e+00 : f32
    %max3A_10 = vector.broadcast %max3A : f32 to vector<1000x256xf32>
    %max3A_11 = arith.maximumf %add3A_9, %max3A_10 : vector<1000x256xf32>
    %slice3A = vector.extract_strided_slice %max3A_11 {offsets = [0, 0], sizes = [1000, 128], strides = [1, 1]} : vector<1000x256xf32> to vector<1000x128xf32>
    %swap3A = arith.constant 0 : index
    %swap3A_12 = arith.constant 0 : index
    %swap3A_13 = arith.constant 0 : index
    %swap3A_14 = vector.load %arg4[%swap3A, %swap3A_12, %swap3A_13] : memref<2x1000x128xf32, #tpu.memory_space<vmem>>, vector<1x1000x128xf32>
    %swap3A_15 = vector.shape_cast %swap3A_14 : vector<1x1000x128xf32> to vector<1000x128xf32>
    %swap3A_16 = vector.shape_cast %slice3A : vector<1000x128xf32> to vector<1x1000x128xf32>
    tpu.vector_store %arg4[%swap3A, %swap3A_12, %swap3A_13], %swap3A_16 {strides = array<i32>} : memref<2x1000x128xf32, #tpu.memory_space<vmem>>, vector<1x1000x128xf32>,
    %slice3A_17 = vector.extract_strided_slice %max3A_11 {offsets = [0, 128], sizes = [1000, 128], strides = [1, 1]} : vector<1000x256xf32> to vector<1000x128xf32>
    %swap3A_18 = arith.constant 1 : index
    %swap3A_19 = arith.constant 0 : index
    %swap3A_20 = arith.constant 0 : index
    %swap3A_21 = vector.load %arg4[%swap3A_18, %swap3A_19, %swap3A_20] : memref<2x1000x128xf32, #tpu.memory_space<vmem>>, vector<1x1000x128xf32>
    %swap3A_22 = vector.shape_cast %swap3A_21 : vector<1x1000x128xf32> to vector<1000x128xf32>
    %swap3A_23 = vector.shape_cast %slice3A_17 : vector<1000x128xf32> to vector<1x1000x128xf32>
    tpu.vector_store %arg4[%swap3A_18, %swap3A_19, %swap3A_20], %swap3A_23 {strides = array<i32>} : memref<2x1000x128xf32, #tpu.memory_space<vmem>>, vector<1x1000x128xf32>,
    return
  }
  func.func @transform_0(%arg0: i32) -> (i32, i32) {
    %c0_i32 = arith.constant 0 : i32
    %c0_i32_0 = arith.constant 0 : i32
    return %arg0, %c0_i32 : i32, i32
  }
  func.func @transform_1(%arg0: i32) -> (i32, i32) {
    %c0_i32 = arith.constant 0 : i32
    %c0_i32_0 = arith.constant 0 : i32
    %c0_i32_1 = arith.constant 0 : i32
    return %c0_i32, %c0_i32_0 : i32, i32
  }
  func.func @transform_2(%arg0: i32) -> (i32, i32) {
    %c0_i32 = arith.constant 0 : i32
    %c0_i32_0 = arith.constant 0 : i32
    %c0_i32_1 = arith.constant 0 : i32
    return %c0_i32, %c0_i32_0 : i32, i32
  }
  func.func @transform_3(%arg0: i32) -> (i32, i32, i32) {
    %c0_i32 = arith.constant 0 : i32
    %c0_i32_0 = arith.constant 0 : i32
    %c0_i32_1 = arith.constant 0 : i32
    return %c0_i32, %arg0, %c0_i32_0 : i32, i32, i32
  }
}

module attributes {stable_mosaic.version = 14 : i64} {
  func.func @_mlp_pool_body(%arg0: i32, %arg1: memref<2x1000x128xf32, #tpu.memory_space<vmem>>, %arg2: memref<2x1000x128xf32, #tpu.memory_space<vmem>>, %arg3: memref<256x256xf32, #tpu.memory_space<vmem>>, %arg4: memref<1x256xf32, #tpu.memory_space<vmem>>, %arg5: memref<256x256xf32, #tpu.memory_space<vmem>>, %arg6: memref<1x256xf32, #tpu.memory_space<vmem>>, %arg7: memref<256x256xf32, #tpu.memory_space<vmem>>, %arg8: memref<1x256xf32, #tpu.memory_space<vmem>>, %arg9: memref<256x256xf32, #tpu.memory_space<vmem>>, %arg10: memref<1x256xf32, #tpu.memory_space<vmem>>, %arg11: memref<256x1xf32, #tpu.memory_space<vmem>>, %arg12: memref<1x1xf32, #tpu.memory_space<vmem>>, %arg13: memref<1x256xf32, #tpu.memory_space<vmem>>, %arg14: memref<1x256xf32, #tpu.memory_space<vmem>>, %arg15: memref<256x4xf32, #tpu.memory_space<vmem>>, %arg16: memref<1x4xf32, #tpu.memory_space<vmem>>, %arg17: memref<1x4xf32, #tpu.memory_space<vmem>>, %arg18: memref<1x1xf32, #tpu.memory_space<smem>>, %arg19: memref<1x1xf32, #tpu.memory_space<smem>>, %arg20: memref<1x256xf32, #tpu.memory_space<vmem>>) attributes {dimension_semantics = [#tpu.dimension_semantics<arbitrary>], iteration_bounds = array<i64: 10>, scalar_prefetch = 0 : i64, scratch_operands = 3 : i64, tpu.core_type = #tpu.core_type<tc>, window_params = [{transform_indices = @transform_0, window_bounds = array<i64: 2, 1000, 128>}, {transform_indices = @transform_1, window_bounds = array<i64: 2, 1000, 128>}, {pipeline_mode = #tpu.pipeline_mode<synchronous>, transform_indices = @transform_2, window_bounds = array<i64: 256, 256>}, {pipeline_mode = #tpu.pipeline_mode<synchronous>, transform_indices = @transform_3, window_bounds = array<i64: 1, 256>}, {pipeline_mode = #tpu.pipeline_mode<synchronous>, transform_indices = @transform_4, window_bounds = array<i64: 256, 256>}, {pipeline_mode = #tpu.pipeline_mode<synchronous>, transform_indices = @transform_5, window_bounds = array<i64: 1, 256>}, {pipeline_mode = #tpu.pipeline_mode<synchronous>, transform_indices = @transform_6, window_bounds = array<i64: 256, 256>}, {pipeline_mode = #tpu.pipeline_mode<synchronous>, transform_indices = @transform_7, window_bounds = array<i64: 1, 256>}, {pipeline_mode = #tpu.pipeline_mode<synchronous>, transform_indices = @transform_8, window_bounds = array<i64: 256, 256>}, {pipeline_mode = #tpu.pipeline_mode<synchronous>, transform_indices = @transform_9, window_bounds = array<i64: 1, 256>}, {pipeline_mode = #tpu.pipeline_mode<synchronous>, transform_indices = @transform_10, window_bounds = array<i64: 256, 1>}, {pipeline_mode = #tpu.pipeline_mode<synchronous>, transform_indices = @transform_11, window_bounds = array<i64: 1, 1>}, {pipeline_mode = #tpu.pipeline_mode<synchronous>, transform_indices = @transform_12, window_bounds = array<i64: 1, 256>}, {pipeline_mode = #tpu.pipeline_mode<synchronous>, transform_indices = @transform_13, window_bounds = array<i64: 1, 256>}, {pipeline_mode = #tpu.pipeline_mode<synchronous>, transform_indices = @transform_14, window_bounds = array<i64: 256, 4>}, {pipeline_mode = #tpu.pipeline_mode<synchronous>, transform_indices = @transform_15, window_bounds = array<i64: 1, 4>}, {pipeline_mode = #tpu.pipeline_mode<synchronous>, transform_indices = @transform_16, window_bounds = array<i64: 1, 4>}]} {
    %get3A = arith.constant 0 : index
    %get3A_0 = arith.constant 0 : index
    %get3A_1 = arith.constant 0 : index
    %get3A_2 = vector.load %arg1[%get3A, %get3A_0, %get3A_1] : memref<2x1000x128xf32, #tpu.memory_space<vmem>>, vector<1x1000x128xf32>
    %get3A_3 = vector.shape_cast %get3A_2 : vector<1x1000x128xf32> to vector<1000x128xf32>
    %get3A_4 = arith.constant 0 : index
    %get3A_5 = arith.constant 0 : index
    %get3A_6 = arith.constant 0 : index
    %get3A_7 = vector.load %arg2[%get3A_4, %get3A_5, %get3A_6] : memref<2x1000x128xf32, #tpu.memory_space<vmem>>, vector<1x1000x128xf32>
    %get3A_8 = vector.shape_cast %get3A_7 : vector<1x1000x128xf32> to vector<1000x128xf32>
    %add3A = arith.addf %get3A_3, %get3A_8 : vector<1000x128xf32>
    %get3A_9 = arith.constant 1 : index
    %get3A_10 = arith.constant 0 : index
    %get3A_11 = arith.constant 0 : index
    %get3A_12 = vector.load %arg1[%get3A_9, %get3A_10, %get3A_11] : memref<2x1000x128xf32, #tpu.memory_space<vmem>>, vector<1x1000x128xf32>
    %get3A_13 = vector.shape_cast %get3A_12 : vector<1x1000x128xf32> to vector<1000x128xf32>
    %get3A_14 = arith.constant 1 : index
    %get3A_15 = arith.constant 0 : index
    %get3A_16 = arith.constant 0 : index
    %get3A_17 = vector.load %arg2[%get3A_14, %get3A_15, %get3A_16] : memref<2x1000x128xf32, #tpu.memory_space<vmem>>, vector<1x1000x128xf32>
    %get3A_18 = vector.shape_cast %get3A_17 : vector<1x1000x128xf32> to vector<1000x128xf32>
    %add3A_19 = arith.addf %get3A_13, %get3A_18 : vector<1000x128xf32>
    %concatenate3A = tpu.concatenate %add3A, %add3A_19 in 1 : vector<1000x128xf32>, vector<1000x128xf32> -> vector<1000x256xf32>
    %get3A_20 = arith.constant 0 : index
    %get3A_21 = arith.constant 0 : index
    %get3A_22 = vector.load %arg3[%get3A_20, %get3A_21] : memref<256x256xf32, #tpu.memory_space<vmem>>, vector<256x256xf32>
    %dot_general3A = arith.constant dense<0.000000e+00> : vector<1000x256xf32>
    %dot_general3A_23 = tpu.matmul %concatenate3A, %get3A_22, %dot_general3A {dimension_numbers = #tpu.dot_dimension_numbers<[1], [0], [0], [1], [0, 0, 1, 1], [], []>, transpose_lhs_hint = false} : vector<1000x256xf32>, vector<256x256xf32>, vector<1000x256xf32> -> vector<1000x256xf32>
    %get3A_24 = arith.constant 0 : index
    %get3A_25 = arith.constant 0 : index
    %get3A_26 = vector.load %arg4[%get3A_24, %get3A_25] : memref<1x256xf32, #tpu.memory_space<vmem>>, vector<1x256xf32>
    %add3A_27 = vector.broadcast %get3A_26 : vector<1x256xf32> to vector<1000x256xf32>
    %add3A_28 = arith.addf %dot_general3A_23, %add3A_27 : vector<1000x256xf32>
    %max3A = arith.constant 0.000000e+00 : f32
    %max3A_29 = vector.broadcast %max3A : f32 to vector<1000x256xf32>
    %max3A_30 = arith.maximumf %add3A_28, %max3A_29 : vector<1000x256xf32>
    %get3A_31 = arith.constant 0 : index
    %get3A_32 = arith.constant 0 : index
    %get3A_33 = vector.load %arg5[%get3A_31, %get3A_32] : memref<256x256xf32, #tpu.memory_space<vmem>>, vector<256x256xf32>
    %dot_general3A_34 = arith.constant dense<0.000000e+00> : vector<1000x256xf32>
    %dot_general3A_35 = tpu.matmul %max3A_30, %get3A_33, %dot_general3A_34 {dimension_numbers = #tpu.dot_dimension_numbers<[1], [0], [0], [1], [0, 0, 1, 1], [], []>, transpose_lhs_hint = false} : vector<1000x256xf32>, vector<256x256xf32>, vector<1000x256xf32> -> vector<1000x256xf32>
    %get3A_36 = arith.constant 0 : index
    %get3A_37 = arith.constant 0 : index
    %get3A_38 = vector.load %arg6[%get3A_36, %get3A_37] : memref<1x256xf32, #tpu.memory_space<vmem>>, vector<1x256xf32>
    %add3A_39 = vector.broadcast %get3A_38 : vector<1x256xf32> to vector<1000x256xf32>
    %add3A_40 = arith.addf %dot_general3A_35, %add3A_39 : vector<1000x256xf32>
    %get3A_41 = arith.constant 0 : index
    %get3A_42 = arith.constant 0 : index
    %get3A_43 = vector.load %arg7[%get3A_41, %get3A_42] : memref<256x256xf32, #tpu.memory_space<vmem>>, vector<256x256xf32>
    %dot_general3A_44 = arith.constant dense<0.000000e+00> : vector<1000x256xf32>
    %dot_general3A_45 = tpu.matmul %add3A_40, %get3A_43, %dot_general3A_44 {dimension_numbers = #tpu.dot_dimension_numbers<[1], [0], [0], [1], [0, 0, 1, 1], [], []>, transpose_lhs_hint = false} : vector<1000x256xf32>, vector<256x256xf32>, vector<1000x256xf32> -> vector<1000x256xf32>
    %get3A_46 = arith.constant 0 : index
    %get3A_47 = arith.constant 0 : index
    %get3A_48 = vector.load %arg8[%get3A_46, %get3A_47] : memref<1x256xf32, #tpu.memory_space<vmem>>, vector<1x256xf32>
    %add3A_49 = vector.broadcast %get3A_48 : vector<1x256xf32> to vector<1000x256xf32>
    %add3A_50 = arith.addf %dot_general3A_45, %add3A_49 : vector<1000x256xf32>
    %tanh3A = math.tanh %add3A_50 : vector<1000x256xf32>
    %get3A_51 = arith.constant 0 : index
    %get3A_52 = arith.constant 0 : index
    %get3A_53 = vector.load %arg9[%get3A_51, %get3A_52] : memref<256x256xf32, #tpu.memory_space<vmem>>, vector<256x256xf32>
    %dot_general3A_54 = arith.constant dense<0.000000e+00> : vector<1000x256xf32>
    %dot_general3A_55 = tpu.matmul %add3A_40, %get3A_53, %dot_general3A_54 {dimension_numbers = #tpu.dot_dimension_numbers<[1], [0], [0], [1], [0, 0, 1, 1], [], []>, transpose_lhs_hint = false} : vector<1000x256xf32>, vector<256x256xf32>, vector<1000x256xf32> -> vector<1000x256xf32>
    %get3A_56 = arith.constant 0 : index
    %get3A_57 = arith.constant 0 : index
    %get3A_58 = vector.load %arg10[%get3A_56, %get3A_57] : memref<1x256xf32, #tpu.memory_space<vmem>>, vector<1x256xf32>
    %add3A_59 = vector.broadcast %get3A_58 : vector<1x256xf32> to vector<1000x256xf32>
    %add3A_60 = arith.addf %dot_general3A_55, %add3A_59 : vector<1000x256xf32>
    %logistic3A = arith.negf %add3A_60 : vector<1000x256xf32>
    %logistic3A_61 = math.exp %logistic3A : vector<1000x256xf32>
    %logistic3A_62 = arith.constant 1.000000e+00 : f32
    %logistic3A_63 = vector.broadcast %logistic3A_62 : f32 to vector<1000x256xf32>
    %logistic3A_64 = arith.addf %logistic3A_63, %logistic3A_61 : vector<1000x256xf32>
    %logistic3A_65 = arith.divf %logistic3A_63, %logistic3A_64 : vector<1000x256xf32>
    %mul3A = arith.mulf %tanh3A, %logistic3A_65 : vector<1000x256xf32>
    %get3A_66 = arith.constant 0 : index
    %get3A_67 = arith.constant 0 : index
    %get3A_68 = vector.load %arg11[%get3A_66, %get3A_67] : memref<256x1xf32, #tpu.memory_space<vmem>>, vector<256x1xf32>
    %dot_general3A_69 = arith.constant dense<0.000000e+00> : vector<1000x1xf32>
    %dot_general3A_70 = tpu.matmul %mul3A, %get3A_68, %dot_general3A_69 {dimension_numbers = #tpu.dot_dimension_numbers<[1], [0], [0], [1], [0, 0, 1, 1], [], []>, transpose_lhs_hint = false} : vector<1000x256xf32>, vector<256x1xf32>, vector<1000x1xf32> -> vector<1000x1xf32>
    %get3A_71 = arith.constant 0 : index
    %get3A_72 = arith.constant 0 : index
    %get3A_73 = vector.load %arg12[%get3A_71, %get3A_72] : memref<1x1xf32, #tpu.memory_space<vmem>>, vector<1x1xf32>
    %add3A_74 = vector.broadcast %get3A_73 : vector<1x1xf32> to vector<1000x1xf32>
    %add3A_75 = arith.addf %dot_general3A_70, %add3A_74 : vector<1000x1xf32>
    %squeeze3A = vector.shape_cast %add3A_75 : vector<1000x1xf32> to vector<1000xf32>
    %eq3A = arith.constant 0 : i32
    %eq3A_76 = arith.cmpi eq, %arg0, %eq3A : i32
    %convert_element_type3A = arith.extui %eq3A_76 : i1 to i32
    %cond3A = arith.constant 0 : i32
    %cond3A_77 = arith.cmpi ne, %convert_element_type3A, %cond3A : i32
    scf.if %cond3A_77 {
      %swap3A_119 = arith.constant 0xFF800000 : f32
      %swap3A_120 = arith.constant 0 : index
      %swap3A_121 = arith.constant 0 : index
      %swap3A_122 = memref.load %arg18[%swap3A_120, %swap3A_121] : memref<1x1xf32, #tpu.memory_space<smem>>
      memref.store %swap3A_119, %arg18[%swap3A_120, %swap3A_121] : memref<1x1xf32, #tpu.memory_space<smem>>
      %swap3A_123 = arith.constant 0.000000e+00 : f32
      %swap3A_124 = arith.constant 0 : index
      %swap3A_125 = arith.constant 0 : index
      %swap3A_126 = memref.load %arg19[%swap3A_124, %swap3A_125] : memref<1x1xf32, #tpu.memory_space<smem>>
      memref.store %swap3A_123, %arg19[%swap3A_124, %swap3A_125] : memref<1x1xf32, #tpu.memory_space<smem>>
      %broadcast_in_dim3A_127 = arith.constant 0.000000e+00 : f32
      %broadcast_in_dim3A_128 = vector.broadcast %broadcast_in_dim3A_127 : f32 to vector<1x256xf32>
      %swap3A_129 = arith.constant 0 : index
      %swap3A_130 = arith.constant 0 : index
      %swap3A_131 = vector.load %arg20[%swap3A_129, %swap3A_130] : memref<1x256xf32, #tpu.memory_space<vmem>>, vector<1x256xf32>
      tpu.vector_store %arg20[%swap3A_129, %swap3A_130], %broadcast_in_dim3A_128 {strides = array<i32>} : memref<1x256xf32, #tpu.memory_space<vmem>>, vector<1x256xf32>,
    } else {
    }
    %get3A_78 = arith.constant 0 : index
    %get3A_79 = arith.constant 0 : index
    %get3A_80 = memref.load %arg18[%get3A_78, %get3A_79] : memref<1x1xf32, #tpu.memory_space<smem>>
    %reduce_max3A = vector.shape_cast %squeeze3A : vector<1000xf32> to vector<1x1000xf32>
    %reduce_max3A_81 = arith.constant dense<0xFF800000> : vector<1xf32>
    %reduce_max3A_82 = vector.multi_reduction <maximumf>, %reduce_max3A, %reduce_max3A_81 [1] : vector<1x1000xf32> to vector<1xf32>
    %reduce_max3A_83 = vector.shape_cast %reduce_max3A_82 : vector<1xf32> to vector<1x1xf32>
    %reduce_max3A_84 = vector.extract %reduce_max3A_83[0, 0] : f32 from vector<1x1xf32>
    %max3A_85 = arith.maximumf %get3A_80, %reduce_max3A_84 : f32
    %sub3A = arith.subf %get3A_80, %max3A_85 : f32
    %exp3A = math.exp %sub3A : f32
    %sub3A_86 = vector.broadcast %max3A_85 : f32 to vector<1000xf32>
    %sub3A_87 = arith.subf %squeeze3A, %sub3A_86 : vector<1000xf32>
    %exp3A_88 = math.exp %sub3A_87 : vector<1000xf32>
    %get3A_89 = arith.constant 0 : index
    %get3A_90 = arith.constant 0 : index
    %get3A_91 = memref.load %arg19[%get3A_89, %get3A_90] : memref<1x1xf32, #tpu.memory_space<smem>>
    %mul3A_92 = arith.mulf %get3A_91, %exp3A : f32
    %reduce_sum3A = vector.shape_cast %exp3A_88 : vector<1000xf32> to vector<1x1000xf32>
    %reduce_sum3A_93 = arith.constant dense<0.000000e+00> : vector<1xf32>
    %reduce_sum3A_94 = vector.multi_reduction <add>, %reduce_sum3A, %reduce_sum3A_93 [1] : vector<1x1000xf32> to vector<1xf32>
    %reduce_sum3A_95 = vector.shape_cast %reduce_sum3A_94 : vector<1xf32> to vector<1x1xf32>
    %reduce_sum3A_96 = vector.extract %reduce_sum3A_95[0, 0] : f32 from vector<1x1xf32>
    %add3A_97 = arith.addf %mul3A_92, %reduce_sum3A_96 : f32
    %swap3A = arith.constant 0 : index
    %swap3A_98 = arith.constant 0 : index
    %swap3A_99 = memref.load %arg19[%swap3A, %swap3A_98] : memref<1x1xf32, #tpu.memory_space<smem>>
    memref.store %add3A_97, %arg19[%swap3A, %swap3A_98] : memref<1x1xf32, #tpu.memory_space<smem>>
    %get3A_100 = arith.constant 0 : index
    %get3A_101 = arith.constant 0 : index
    %get3A_102 = vector.load %arg20[%get3A_100, %get3A_101] : memref<1x256xf32, #tpu.memory_space<vmem>>, vector<1x256xf32>
    %mul3A_103 = vector.broadcast %exp3A : f32 to vector<1x256xf32>
    %mul3A_104 = arith.mulf %get3A_102, %mul3A_103 : vector<1x256xf32>
    %broadcast_in_dim3A = vector.shape_cast %exp3A_88 : vector<1000xf32> to vector<1x1000xf32>
    %dot_general3A_105 = arith.constant dense<0.000000e+00> : vector<1x256xf32>
    %dot_general3A_106 = tpu.matmul %broadcast_in_dim3A, %add3A_40, %dot_general3A_105 {dimension_numbers = #tpu.dot_dimension_numbers<[1], [0], [0], [1], [0, 0, 1, 1], [], []>, transpose_lhs_hint = false} : vector<1x1000xf32>, vector<1000x256xf32>, vector<1x256xf32> -> vector<1x256xf32>
    %add3A_107 = arith.addf %mul3A_104, %dot_general3A_106 : vector<1x256xf32>
    %swap3A_108 = arith.constant 0 : index
    %swap3A_109 = arith.constant 0 : index
    %swap3A_110 = vector.load %arg20[%swap3A_108, %swap3A_109] : memref<1x256xf32, #tpu.memory_space<vmem>>, vector<1x256xf32>
    tpu.vector_store %arg20[%swap3A_108, %swap3A_109], %add3A_107 {strides = array<i32>} : memref<1x256xf32, #tpu.memory_space<vmem>>, vector<1x256xf32>,
    %swap3A_111 = arith.constant 0 : index
    %swap3A_112 = arith.constant 0 : index
    %swap3A_113 = memref.load %arg18[%swap3A_111, %swap3A_112] : memref<1x1xf32, #tpu.memory_space<smem>>
    memref.store %max3A_85, %arg18[%swap3A_111, %swap3A_112] : memref<1x1xf32, #tpu.memory_space<smem>>
    %eq3A_114 = arith.constant 9 : i32
    %eq3A_115 = arith.cmpi eq, %arg0, %eq3A_114 : i32
    %convert_element_type3A_116 = arith.extui %eq3A_115 : i1 to i32
    %cond3A_117 = arith.constant 0 : i32
    %cond3A_118 = arith.cmpi ne, %convert_element_type3A_116, %cond3A_117 : i32
    scf.if %cond3A_118 {
      %get3A_119 = arith.constant 0 : index
      %get3A_120 = arith.constant 0 : index
      %get3A_121 = vector.load %arg20[%get3A_119, %get3A_120] : memref<1x256xf32, #tpu.memory_space<vmem>>, vector<1x256xf32>
      %get3A_122 = arith.constant 0 : index
      %get3A_123 = arith.constant 0 : index
      %get3A_124 = memref.load %arg19[%get3A_122, %get3A_123] : memref<1x1xf32, #tpu.memory_space<smem>>
      %div3A = vector.broadcast %get3A_124 : f32 to vector<1x256xf32>
      %div3A_125 = arith.divf %get3A_121, %div3A : vector<1x256xf32>
      %reduce_sum3A_126 = vector.shape_cast %div3A_125 : vector<1x256xf32> to vector<1x1x256xf32>
      %reduce_sum3A_127 = arith.constant dense<0.000000e+00> : vector<1xf32>
      %reduce_sum3A_128 = vector.multi_reduction <add>, %reduce_sum3A_126, %reduce_sum3A_127 [1, 2] : vector<1x1x256xf32> to vector<1xf32>
      %reduce_sum3A_129 = vector.shape_cast %reduce_sum3A_128 : vector<1xf32> to vector<1x1x1xf32>
      %reduce_sum3A_130 = vector.extract %reduce_sum3A_129[0, 0, 0] : f32 from vector<1x1x1xf32>
      %div3A_131 = arith.constant 2.560000e+02 : f32
      %div3A_132 = arith.divf %reduce_sum3A_130, %div3A_131 : f32
      %sub3A_133 = vector.broadcast %div3A_132 : f32 to vector<1x256xf32>
      %sub3A_134 = arith.subf %div3A_125, %sub3A_133 : vector<1x256xf32>
      %integer_pow3A = arith.mulf %sub3A_134, %sub3A_134 : vector<1x256xf32>
      %reduce_sum3A_135 = vector.shape_cast %integer_pow3A : vector<1x256xf32> to vector<1x1x256xf32>
      %reduce_sum3A_136 = arith.constant dense<0.000000e+00> : vector<1xf32>
      %reduce_sum3A_137 = vector.multi_reduction <add>, %reduce_sum3A_135, %reduce_sum3A_136 [1, 2] : vector<1x1x256xf32> to vector<1xf32>
      %reduce_sum3A_138 = vector.shape_cast %reduce_sum3A_137 : vector<1xf32> to vector<1x1x1xf32>
      %reduce_sum3A_139 = vector.extract %reduce_sum3A_138[0, 0, 0] : f32 from vector<1x1x1xf32>
      %div3A_140 = arith.constant 2.560000e+02 : f32
      %div3A_141 = arith.divf %reduce_sum3A_139, %div3A_140 : f32
      %sub3A_142 = vector.broadcast %div3A_132 : f32 to vector<1x256xf32>
      %sub3A_143 = arith.subf %div3A_125, %sub3A_142 : vector<1x256xf32>
      %add3A_144 = arith.constant 9.99999974E-6 : f32
      %add3A_145 = arith.addf %div3A_141, %add3A_144 : f32
      %rsqrt3A = math.rsqrt %add3A_145 : f32
      %mul3A_146 = vector.broadcast %rsqrt3A : f32 to vector<1x256xf32>
      %mul3A_147 = arith.mulf %sub3A_143, %mul3A_146 : vector<1x256xf32>
      %get3A_148 = arith.constant 0 : index
      %get3A_149 = arith.constant 0 : index
      %get3A_150 = vector.load %arg13[%get3A_148, %get3A_149] : memref<1x256xf32, #tpu.memory_space<vmem>>, vector<1x256xf32>
      %mul3A_151 = arith.mulf %mul3A_147, %get3A_150 : vector<1x256xf32>
      %get3A_152 = arith.constant 0 : index
      %get3A_153 = arith.constant 0 : index
      %get3A_154 = vector.load %arg14[%get3A_152, %get3A_153] : memref<1x256xf32, #tpu.memory_space<vmem>>, vector<1x256xf32>
      %add3A_155 = arith.addf %mul3A_151, %get3A_154 : vector<1x256xf32>
      %get3A_156 = arith.constant 0 : index
      %get3A_157 = arith.constant 0 : index
      %get3A_158 = vector.load %arg15[%get3A_156, %get3A_157] : memref<256x4xf32, #tpu.memory_space<vmem>>, vector<256x4xf32>
      %dot_general3A_159 = arith.constant dense<0.000000e+00> : vector<1x4xf32>
      %dot_general3A_160 = tpu.matmul %add3A_155, %get3A_158, %dot_general3A_159 {dimension_numbers = #tpu.dot_dimension_numbers<[1], [0], [0], [1], [0, 0, 1, 1], [], []>, transpose_lhs_hint = false} : vector<1x256xf32>, vector<256x4xf32>, vector<1x4xf32> -> vector<1x4xf32>
      %get3A_161 = arith.constant 0 : index
      %get3A_162 = arith.constant 0 : index
      %get3A_163 = vector.load %arg16[%get3A_161, %get3A_162] : memref<1x4xf32, #tpu.memory_space<vmem>>, vector<1x4xf32>
      %add3A_164 = arith.addf %dot_general3A_160, %get3A_163 : vector<1x4xf32>
      %swap3A_165 = arith.constant 0 : index
      %swap3A_166 = arith.constant 0 : index
      %swap3A_167 = vector.load %arg17[%swap3A_165, %swap3A_166] : memref<1x4xf32, #tpu.memory_space<vmem>>, vector<1x4xf32>
      tpu.vector_store %arg17[%swap3A_165, %swap3A_166], %add3A_164 {strides = array<i32>} : memref<1x4xf32, #tpu.memory_space<vmem>>, vector<1x4xf32>,
    } else {
    }
    return
  }
  func.func @transform_0(%arg0: i32) -> (i32, i32, i32) {
    %c0_i32 = arith.constant 0 : i32
    %c0_i32_0 = arith.constant 0 : i32
    %c0_i32_1 = arith.constant 0 : i32
    return %c0_i32, %arg0, %c0_i32_0 : i32, i32, i32
  }
  func.func @transform_1(%arg0: i32) -> (i32, i32, i32) {
    %c0_i32 = arith.constant 0 : i32
    %c0_i32_0 = arith.constant 0 : i32
    %c0_i32_1 = arith.constant 0 : i32
    return %c0_i32, %arg0, %c0_i32_0 : i32, i32, i32
  }
  func.func @transform_2(%arg0: i32) -> (i32, i32) {
    %c0_i32 = arith.constant 0 : i32
    %c0_i32_0 = arith.constant 0 : i32
    %c0_i32_1 = arith.constant 0 : i32
    return %c0_i32, %c0_i32_0 : i32, i32
  }
  func.func @transform_3(%arg0: i32) -> (i32, i32) {
    %c0_i32 = arith.constant 0 : i32
    %c0_i32_0 = arith.constant 0 : i32
    %c0_i32_1 = arith.constant 0 : i32
    return %c0_i32, %c0_i32_0 : i32, i32
  }
  func.func @transform_4(%arg0: i32) -> (i32, i32) {
    %c0_i32 = arith.constant 0 : i32
    %c0_i32_0 = arith.constant 0 : i32
    %c0_i32_1 = arith.constant 0 : i32
    return %c0_i32, %c0_i32_0 : i32, i32
  }
  func.func @transform_5(%arg0: i32) -> (i32, i32) {
    %c0_i32 = arith.constant 0 : i32
    %c0_i32_0 = arith.constant 0 : i32
    %c0_i32_1 = arith.constant 0 : i32
    return %c0_i32, %c0_i32_0 : i32, i32
  }
  func.func @transform_6(%arg0: i32) -> (i32, i32) {
    %c0_i32 = arith.constant 0 : i32
    %c0_i32_0 = arith.constant 0 : i32
    %c0_i32_1 = arith.constant 0 : i32
    return %c0_i32, %c0_i32_0 : i32, i32
  }
  func.func @transform_7(%arg0: i32) -> (i32, i32) {
    %c0_i32 = arith.constant 0 : i32
    %c0_i32_0 = arith.constant 0 : i32
    %c0_i32_1 = arith.constant 0 : i32
    return %c0_i32, %c0_i32_0 : i32, i32
  }
  func.func @transform_8(%arg0: i32) -> (i32, i32) {
    %c0_i32 = arith.constant 0 : i32
    %c0_i32_0 = arith.constant 0 : i32
    %c0_i32_1 = arith.constant 0 : i32
    return %c0_i32, %c0_i32_0 : i32, i32
  }
  func.func @transform_9(%arg0: i32) -> (i32, i32) {
    %c0_i32 = arith.constant 0 : i32
    %c0_i32_0 = arith.constant 0 : i32
    %c0_i32_1 = arith.constant 0 : i32
    return %c0_i32, %c0_i32_0 : i32, i32
  }
  func.func @transform_10(%arg0: i32) -> (i32, i32) {
    %c0_i32 = arith.constant 0 : i32
    %c0_i32_0 = arith.constant 0 : i32
    %c0_i32_1 = arith.constant 0 : i32
    return %c0_i32, %c0_i32_0 : i32, i32
  }
  func.func @transform_11(%arg0: i32) -> (i32, i32) {
    %c0_i32 = arith.constant 0 : i32
    %c0_i32_0 = arith.constant 0 : i32
    %c0_i32_1 = arith.constant 0 : i32
    return %c0_i32, %c0_i32_0 : i32, i32
  }
  func.func @transform_12(%arg0: i32) -> (i32, i32) {
    %c0_i32 = arith.constant 0 : i32
    %c0_i32_0 = arith.constant 0 : i32
    %c0_i32_1 = arith.constant 0 : i32
    return %c0_i32, %c0_i32_0 : i32, i32
  }
  func.func @transform_13(%arg0: i32) -> (i32, i32) {
    %c0_i32 = arith.constant 0 : i32
    %c0_i32_0 = arith.constant 0 : i32
    %c0_i32_1 = arith.constant 0 : i32
    return %c0_i32, %c0_i32_0 : i32, i32
  }
  func.func @transform_14(%arg0: i32) -> (i32, i32) {
    %c0_i32 = arith.constant 0 : i32
    %c0_i32_0 = arith.constant 0 : i32
    %c0_i32_1 = arith.constant 0 : i32
    return %c0_i32, %c0_i32_0 : i32, i32
  }
  func.func @transform_15(%arg0: i32) -> (i32, i32) {
    %c0_i32 = arith.constant 0 : i32
    %c0_i32_0 = arith.constant 0 : i32
    %c0_i32_1 = arith.constant 0 : i32
    return %c0_i32, %c0_i32_0 : i32, i32
  }
  func.func @transform_16(%arg0: i32) -> (i32, i32) {
    %c0_i32 = arith.constant 0 : i32
    %c0_i32_0 = arith.constant 0 : i32
    %c0_i32_1 = arith.constant 0 : i32
    return %c0_i32, %c0_i32_0 : i32, i32
  }
}

</mosaic_0001>

<sc_bundles>
// kernel: kernel.5.cloned.1.call-start
scs
__scs_entry_jumppad:
0x0: {  	(pc) =	sbr.rel $0x88, $3  }
0x1: {  	(tag) =	ssettag $0x0;
	lr =	simm.s32 $0x1  }
0x2: {  	[smem:$0x3F8F] =	sst lr;
	_ =	strace $0xD0000000  }
0x3: {  	_ = 	snop  }
0x4: {  	_ = 	snop  }
0x5: {  	_ = 	snop  }
0x6: {  	_ = 	snop  }
0x7: {  	_ = 	snop  }
__scs_overlays_trampoline_lowered:
0x8: {  	[smem:$0x3F9E] =	sst s0  }
0x9: {  	[smem:$0x3F9F] =	sst s1  }
0xa: {  	[smem:$0x3FA0] =	sst s2  }
0xb: {  	[smem:$0x3FA1] =	sst s3  }
0xc: {  	[smem:$0x3FA2] =	sst s4  }
0xd: {  	[smem:$0x3FA3] =	sst s5  }
0xe: {  	[smem:$0x3FA4] =	sst s6  }
0xf: {  	[smem:$0x3FA5] =	sst s7  }
0x10: {  	[smem:$0x3FA6] =	sst s8  }
0x11: {  	[smem:$0x3FA7] =	sst s9;
	s0 =	simm.s32 @!p0 $0x0  }
0x12: {  	s1 =	sld [smem:$0x3F8D];
	s0 =	simm.s32 @p0 $0x1  }
0x13: {  	[smem:$0x3FA8] =	sst s0;
	s0 =	simm.s32 @!p1 $0x0  }
0x14: {  	s2 =	sld [smem:$0x3F8C];
	s0 =	simm.s32 @p1 $0x1  }
0x15: {  	[smem:$0x3FA9] =	sst s0;
	s0 =	simm.s32 @!p2 $0x0  }
0x16: {  	s3 =	sld [smem:$0x3FDB];
	s0 =	simm.s32 @p2 $0x1  }
0x17: {  	s4 =	simm.s32 $0x1BF5;
	[smem:$0x3FAB] =	sst s0  }
0x18: {  	s0 =	sld [smem:$0x3F8E];
	_ =	swait.ge [sflag:s4], $0x0  }
0x19: {  	s7 =	sld [smem:$0x3F8F]  }
0x1a: {  	s8 =	sadd.s32 $0xFFFFE003, lr  }
0x1b: {  	s9 =	sadd.s32 $0xFFFFFEF7, lr;
	s5 =	simm.s32 $0xFFFFFFFF;
	p2 =	slt.u32 s8, $0xFFFFF086  }
0x1c: {  	p1 =	slt.u32 s9, $0xF7A;
	s5 =	simm.s32 @!p2 $0x0  }
0x1d: {  	s5 =	simm.s32 @p1 $0x1;
	p0 =	seq.s32 s7, s2  }
0x1e: {  	s7 =	smul.u32 @!p0 $0xF7A, s2;
	p2 =	seq.s32 @!p0 s5, $0x0  }
0x1f: {  	s9 =	smul.u32 $0xF7A, s1;
	s8 =	simm.s32 @!p0 $0x1BF5;
	p2 =	por !p2, p0  }
0x20: {  	[sflag:s8] =	ssyncset.s32 @!p0 $0xFFFFF086;
	s6 =	sadd.s32 @!p0 s3, s7;
	s7 =	simm.s32 @!p0 $0x108  }
0x21: {  	s3 =	sadd.s32 s3, s9;
	s6 =	sadd.s32 @!p0 $0x88, s6;
	s7 =	simm.s32 @p2 $0x1082  }
0x22: {  	[simem:s7], [sflag:s8] =	dma.local @!p0 [hbm:s6], $0xF7A  }
0x23: {  	s9 =	sor.u32 $0xD0000000, s2;
	s6 =	simm.s32 $0x108;
	_ =	swait.ge @!p0 [sflag:s8], $0x0  }
0x24: {  	s3 =	sadd.s32 $0x88, s3;
	s6 =	simm.s32 @!p1 $0x1082;
	[sflag:s4] =	ssyncset.s32 $0xFFFFF086  }
0x25: {  	[simem:s6], [sflag:s4] =	dma.local [hbm:s3], $0xF7A  }
0x26: {  	[smem:$0x3F8F] =	sst s1;
	(tag) =	ssettag s2;
	_ =	strace s9  }
0x27: {  	s1 =	sld [smem:$0x3F9F]  }
0x28: {  	s2 =	sld [smem:$0x3FA0]  }
0x29: {  	s4 =	sld [smem:$0x3FA2]  }
0x2a: {  	p0 =	seq.s32 s5, $0x0;
	s5 =	sld [smem:$0x3FA3]  }
0x2b: {  	s6 =	sld [smem:$0x3FA4]  }
0x2c: {  	s7 =	sld [smem:$0x3FA5]  }
0x2d: {  	s3 =	simm.s32 $0x108;
	s8 =	sld [smem:$0x3FA6]  }
0x2e: {  	s3 =	simm.s32 @!p0 $0x1082;
	s9 =	sld [smem:$0x3FA7]  }
0x2f: {  	lr =	sadd.s32 s0, s3;
	s0 =	sld [smem:$0x3F9E]  }
0x30: {  	s3 =	sld [smem:$0x3FA1]  }
0x31: {  	[smem:$0x3FAA] =	sst s10  }
0x32: {  	s10 =	sld [smem:$0x3FA8];
	_ =	sdelay $0x3  }
0x33: {  	p0 =	seq.s32 s10, $0x1;
	s10 =	sld [smem:$0x3FAA];
	_ =	sdelay $0x3  }
0x34: {  	[smem:$0x3FAA] =	sst s10  }
0x35: {  	s10 =	sld [smem:$0x3FA9];
	_ =	sdelay $0x3  }
0x36: {  	p1 =	seq.s32 s10, $0x1;
	s10 =	sld [smem:$0x3FAA];
	_ =	sdelay $0x3  }
0x37: {  	[smem:$0x3FAA] =	sst s10  }
0x38: {  	s10 =	sld [smem:$0x3FAB]  }
0x39: {  	_ = 	snop;
	(pc) =	sbr.ind lr, $3  }
0x3a: {  	_ = 	snop  }
0x3b: {  	_ = 	snop  }
0x3c: {  	p2 =	seq.s32 s10, $0x1;
	s10 =	sld [smem:$0x3FAA]  }
0x3d: {  	_ =	shalt  }
0x3e: {  	_ =	shalt  }
0x3f: {  	_ =	shalt  }
0x40: {  	_ =	shalt  }
0x41: {  	_ =	shalt  }
0x42: {  	_ =	shalt  }
0x43: {  	_ =	shalt  }
0x44: {  	_ =	shalt  }
0x45: {  	_ =	shalt  }
0x46: {  	_ =	shalt  }
0x47: {  	_ =	shalt  }
0x48: {  	_ =	shalt  }
0x49: {  	_ =	shalt  }
0x4a: {  	_ =	shalt  }
0x4b: {  	_ =	shalt  }
0x4c: {  	_ =	shalt  }
0x4d: {  	_ =	shalt  }
0x4e: {  	_ =	shalt  }
0x4f: {  	_ =	shalt  }
0x50: {  	_ =	shalt  }
0x51: {  	_ =	shalt  }
0x52: {  	_ =	shalt  }
0x53: {  	_ =	shalt  }
0x54: {  	_ =	shalt  }
0x55: {  	_ =	shalt  }
0x56: {  	_ =	shalt  }
0x57: {  	_ =	shalt  }
0x58: {  	_ =	shalt  }
0x59: {  	_ =	shalt  }
0x5a: {  	_ =	shalt  }
0x5b: {  	_ =	shalt  }
0x5c: {  	_ =	shalt  }
0x5d: {  	_ =	shalt  }
0x5e: {  	_ =	shalt  }
0x5f: {  	_ =	shalt  }
0x60: {  	_ =	shalt  }
0x61: {  	_ =	shalt  }
0x62: {  	_ =	shalt  }
0x63: {  	_ =	shalt  }
0x64: {  	_ =	shalt  }
0x65: {  	_ =	shalt  }
0x66: {  	_ =	shalt  }
0x67: {  	_ =	shalt  }
0x68: {  	_ =	shalt  }
0x69: {  	_ =	shalt  }
0x6a: {  	_ =	shalt  }
0x6b: {  	_ =	shalt  }
0x6c: {  	_ =	shalt  }
0x6d: {  	_ =	shalt  }
0x6e: {  	_ =	shalt  }
0x6f: {  	_ =	shalt  }
0x70: {  	_ =	shalt  }
0x71: {  	_ =	shalt  }
0x72: {  	_ =	shalt  }
0x73: {  	_ =	shalt  }
0x74: {  	_ =	shalt  }
0x75: {  	_ =	shalt  }
0x76: {  	_ =	shalt  }
0x77: {  	_ =	shalt  }
0x78: {  	_ =	shalt  }
0x79: {  	_ =	shalt  }
0x7a: {  	_ =	shalt  }
0x7b: {  	_ =	shalt  }
0x7c: {  	_ =	shalt  }
0x7d: {  	_ =	shalt  }
0x7e: {  	_ =	shalt  }
0x7f: {  	_ =	shalt  }
0x80: {  	_ =	shalt  }
0x81: {  	_ =	shalt  }
0x82: {  	_ =	shalt  }
0x83: {  	_ =	shalt  }
0x84: {  	_ =	shalt  }
0x85: {  	_ =	shalt  }
0x86: {  	_ =	shalt  }
0x87: {  	_ =	shalt  }
.Lfunc_end0:
.L_simem_size_0:
called_computation_lowered:
.L_overlay_start_0:
0x88: {  	s2 =	sld [smem:$0x3FD9]  }
0x89: {  	s3 =	sld [smem:$0x3FFE];
	_ =	sdelay $0x1  }
0x8a: {  	s1 =	srdreg.scid  }
0x8b: {  	s0 =	sand.u32 $0x1, s1  }
0x8c: {  	s16 =	sshll.u32 s0, $0xA;
	s2 =	sadd.s32 s3, s2  }
0x8d: {  	s2 =	sadd.s32 s2, s16  }
0x8e: {  	[smem:$0x3FB6] =	sst s2  }
0x8f: {  	_ = 	snop  }
0x90: {  	(tm) =	ssettm $0x1  }
0x91: {  	s17 =	sld [smem:$0x3FFB];
	_ =	sdelay $0x3  }
0x92: {  	_ =	strace s17  }
0x93: {  	s2 =	sld [smem:$0x3FFC];
	_ =	sdelay $0x3  }
0x94: {  	_ =	strace s2  }
0x95: {  	s2 =	sld [smem:$0x3FFD];
	_ =	sdelay $0x3  }
0x96: {  	_ =	strace s2  }
0x97: {  	_ =	strace $0x8FFFFFFF  }
0x98: {  	s18 =	sld [smem:$0x3FDB];
	_ =	sdelay $0x1  }
0x99: {  	s19 =	simm.s32 $_scs_section_size  }
0x9a: {  	s4 =	simm.s32 $_size__tile_overlayer_lowered;
	s5 =	simm.s32 $_tile_overlayer_lowered  }
0x9b: {  	s22 =	simm.s32 $0x1BFF;
	s21 =	sshll.u32 s5, $0x1;
	s2 =	sadd.s32 s19, s18  }
0x9c: {  	s6 =	simm.s32 $0x0;
	s20 =	sshll.u32 s4, $0x1;
	s4 =	sadd.s32 s21, s2  }
0x9d: {  	[timem:s6], [sflag:s22] =	dma.local [hbm:s4], s20  }
0x9e: {  	_ =	swait.ge [sflag:s22], s20  }
0x9f: {  	s3 =	ssub.s32 $0x0, s20;
	[sflag:s22] =	ssyncset.done $0x0  }
0xa0: {  	[sflag:s22] =	ssyncadd.s32 s3;
	_ =	sdelay $0x1  }
0xa1: {  	s23 =	simm.s32 $0x1B8B  }
0xa2: {  	_ =	swait.ge [sflag:s23], $0x1  }
0xa3: {  	[sflag:s23] =	ssyncset.done $0x0  }
0xa4: {  	s25 =	simm.s32 $0x1B8E;
	s24 =	sld [smem:$0x3FFE];
	[sflag:s23] =	ssyncadd.s32 $0xFFFFFFFF  }
0xa5: {  	s26 =	simm.s32 $execute0_lowered;
	[smem:$0x3FD2] =	sst s25  }
0xa6: {  	s4 =	sshll.u32 s26, $0x1;
	_ =	strace $0x80000046;
	[dreg:$0x1] =	wrdreg $0xFFFFFFFF  }
0xa7: {  	s28 =	simm.s32 $_size_execute0_lowered;
	s2 =	sadd.s32 s2, s4;
	[dreg:$0x0] =	wrdreg $0x0  }
0xa8: {  	s4 =	sshll.u32 s28, $0x1;
	[dreg:$0x2] =	wrdreg s2  }
0xa9: {  	[dreg:$0x3] =	wrdreg s4  }
0xaa: {  	[dreg:$0x4] =	wrdreg $0xC0  }
0xab: {  	_ =	task [dreg:s6], $0x5FFFF  }
0xac: {  	[dreg:$0x1] =	wrdreg $0xFFFFFFFF  }
0xad: {  	[dreg:$0x0] =	wrdreg $0x60  }
0xae: {  	[dreg:$0x2] =	wrdreg s24  }
0xaf: {  	[dreg:$0x3] =	wrdreg $0xC5000  }
0xb0: {  	[dreg:$0x4] =	wrdreg $0x9  }
0xb1: {  	_ =	task.clear_ibuf [dreg:s6], $0x5FFFF;
	_ =	strace $0x90000046  }
0xb2: {  	s29 =	simm.s32 $0x9;
	_ =	strace $0x80000048  }
0xb3: {  	_ =	swait.ge [sflag:s29], $0x1  }
0xb4: {  	[sflag:s29] =	ssyncadd.s32 $0xFFFFFFFF  }
0xb5: {  	_ =	strace $0x90000048  }
0xb6: {  	_ =	sfence  }
0xb7: {  	s30 =	sld [smem:$0x0];
	_ =	sdelay $0x2  }
0xb8: {  	s31 =	sshll.u32 s1, $0xD;
	s1 =	sshrl.u32 s1, $0x2  }
0xb9: {  	s3 =	sand.u32 $0x4000, s31;
	s1 =	sadd.s32 s1, s30  }
0xba: {  	s0 =	sor.u32 s3, s0;
	s1 =	sshll.u32 s1, $0x11  }
0xbb: {  	s0 =	sor.u32 s1, s0  }
0xbc: {  	s0 =	sadd.s32 $0x8F2B, s0  }
0xbd: {  	[sflag:s0] =	ssyncadd.remote.s32 $0x1  }
0xbe: {  	_ =	sfence.sel $0xFFFF  }
0xbf: {  	[dreg:$0x0] =	wrdreg $0xFFFFFFFF;
	(pc) =	sbr.abs _section_cstart, $3  }
0xc0: {  	[dreg:$0x1] =	wrdreg $0xFFFFFFFF  }
0xc1: {  	_ =	task.clear_ibuf [dreg:s6], $0x2FFFF;
	_ =	strace $0x9FFFFFFF  }
0xc2: {  	(tm) =	ssettm $0x7FFFFFFF  }
0xc3: {  	_ =	shalt  }
tec
execute0_lowered:
.L_overlay_start_1:
0x0: {  	(tag) =	ssettag $0x1  }
0x1: {  	s0 =	rddreg [dreg:$0x0]  }
0x2: {  	s2 =	rddreg [dreg:$0x1];
	s3 =	simm.s32 $0x0;
	s11 =	stileid.u32  }
0x3: {  	s1 =	srdreg.scid;
	s28 =	simm.s32 $0x2;
	s29 =	simm.s32 $0x6  }
0x4: {  	s31 =	simm.s32 $0x10;
	s30 =	simm.s32 $0xC400;
	s8 =	smul.u32 $0x2700, s11  }
0x5: {  	[smem:$0x7FF] =	sst s3;
	s1 =	sand.u32 $0x1, s1;
	s7 =	smul.u32 $0x4E000, s11  }
0x6: {  	s5 =	sadd.s32 $0xCA00, s0;
	s6 =	sadd.s32 $0x2C00, s0;
	s10 =	smul.u32 $0x4E20, s11  }
0x7: {  	s13 =	sadd.s32 $0x124800, s2;
	s23 =	smul.u32 $0x9C4, s11;
	p0 =	seq.s32 s11, $0xF  }
0x8: {  	_ =	strace $0x80000047;
	s4 =	smul.u32 $0x27100, s1;
	[dreg:$0x6] =	wrdreg s13  }
0x9: {  	s1 =	ssub.s32 $0x2, s1;
	[dreg:$0x3] =	wrdreg s8;
	s8 =	sadd.s32 s8, s0  }
0xa: {  	s9 =	sshrl.u32 s1, $0x1;
	s7 =	sshrl.u32 s7, $0x2;
	s14 =	sshrl.u32 s10, $0x3  }
0xb: {  	s25 =	sadd.s32 s23, s6;
	s26 =	sadd.s32 s23, s5;
	s4 =	sadd.s32 s4, s0  }
0xc: {  	s1 =	ssub.s32 s1, s9;
	s7 =	sadd.s32 s7, s2;
	s12 =	sadd.s32 $0x64A00, s8  }
0xd: {  	s0 =	sadd.s32 $0x89300, s0;
	s15 =	sadd.s32 s5, s14;
	[dreg:$0x4] =	wrdreg s7  }
0xe: {  	s16 =	sadd.s32 s6, s14;
	s17 =	sadd.s32 $0xC, s14;
	[dreg:$0x5] =	wrdreg s12  }
0xf: {  	s19 =	sadd.s32 $0x18, s14;
	s21 =	sadd.s32 $0x24, s14;
	[dreg:$0x7] =	wrdreg s0  }
0x10: {  	s13 =	sadd.s32 $0x24, s26;
	s26 =	simm.s32 $0x60;
	[dreg:$0x8] =	wrdreg s15  }
0x11: {  	s8 =	simm.s32 $0xD;
	s9 =	simm.s32 $0x0;
	[dreg:$0x9] =	wrdreg s16  }
0x12: {  	s18 =	sadd.s32 s5, s17;
	s7 =	sadd.s32 s6, s17;
	s20 =	sadd.s32 s5, s19  }
0x13: {  	s22 =	sadd.s32 s5, s21;
	s0 =	sadd.s32 $0x9C0, s14;
	[dreg:$0xa] =	wrdreg s18  }
0x14: {  	s17 =	sadd.s32 $0x16800, s4;
	s14 =	sadd.s32 $0x24, s25;
	[dreg:$0xb] =	wrdreg s7  }
0x15: {  	s25 =	simm.s32 $0x80;
	[dreg:$0xc] =	wrdreg s20;
	s7 =	sadd.s32 s6, s19  }
0x16: {  	[dreg:$0xe] =	wrdreg s22;
	s24 =	sadd.s32 s5, s0;
	s0 =	sadd.s32 s6, s0  }
.Ltmp0:
0x17: {  	s20 =	sadd.s32 $0x8BC00, s4;
	[dreg:$0xd] =	wrdreg s7;
	(pc) =	sbr.rel .LBB2_1-.Ltmp0, $4  }
0x18: {  	s4 =	simm.s32 $0x11;
	s5 =	simm.s32 $0xC480;
	[dreg:$0x10] =	wrdreg s24  }
0x19: {  	s7 =	sadd.s32 s6, s21;
	[dreg:$0x11] =	wrdreg s0;
	s21 =	smax.u32 s1, $0x1  }
0x1a: {  	s0 =	simm.s32 $0x1;
	s24 =	simm.s32 $0x5;
	s1 =	simm.s32 $0x400  }
0x1b: {  	s6 =	simm.s32 $0x20;
	[dreg:$0xf] =	wrdreg s7;
	s7 =	simm.s32 $0x9  }
.LBB2_6:
0x1c: {  	_ =	swait.ge [sflag:s31], $0x3000  }
0x1d: {  	[sflag:s31] =	ssyncset.done $0x0  }
0x1e: {  	s15 =	rddreg [dreg:$0x10];
	[sflag:s31] =	ssyncadd.s32 $0xFFFFD000  }
0x1f: {  	[tilespmem:s30], [sflag:$0x11] =	stream.linear.gather [hbm4b:s15+s3], $0x20, $0x38;
	[tilespmem:$0x1FD80] =	vst v63  }
0x20: {  	_ =	swait.ge [sflag:s4], $0x20  }
0x21: {  	[sflag:s4] =	ssyncset.done $0x0  }
0x22: {  	s23 =	rddreg [dreg:$0x11];
	[sflag:s4] =	ssyncadd.s32 $0xFFFFFFE0  }
0x23: {  	[tilespmem:s5], [sflag:$0x11] =	stream.linear.gather [hbm4b:s23+s3], $0x20, $0x38;
	[tilespmem:$0x1FD80] =	vst v63  }
0x24: {  	_ =	swait.ge [sflag:s4], $0x20  }
0x25: {  	[sflag:s4] =	ssyncset.done $0x0  }
0x26: {  	[sflag:s4] =	ssyncadd.s32 $0xFFFFFFE0  }
0x27: {  	[tilespmem:s1], [sflag:$0x9] =	stream.indirect.gather [hbm4b:s17+s6], $0x80, s30, s6, $0xb8;
	[tilespmem:$0x1FD80] =	vst v63  }
0x28: {  	_ =	swait.ge [sflag:s7], $0x1000  }
0x29: {  	[sflag:s7] =	ssyncset.done $0x0  }
0x2a: {  	[sflag:s7] =	ssyncadd.s32 $0xFFFFF000  }
0x2b: {  	[spmem:s2] =	stream.indirect.scatter.add.f32 [tilespmem:s1], [sflag:$0xD], $0x80, s5, s6, $0xb8;
	[tilespmem:$0x1FD80] =	vst v63  }
0x2c: {  	_ =	swait.ge [sflag:s8], $0x1000  }
0x2d: {  	[sflag:s8] =	ssyncset.done $0x0  }
0x2e: {  	[sflag:s8] =	ssyncadd.s32 $0xFFFFF000  }
0x2f: {  	s16 =	simm.s32 @p0 $0x1FD1;
	s15 =	sadd.s32 @p0 $0x24900, s20;
	[bflag:$0x0] =	sbarrier.arrive $0xFFFF  }
0x30: {  	[hbm:s15], [sflag:s16] =	dma.local @p0 [spmem:s10], $0x2800  }
0x31: {  	s10 =	simm.s32 @p0 $0x11  }
0x32: {  	_ =	swait.ge @p0 [sflag:s10], $0x2800  }
0x33: {  	[sflag:s10] =	ssyncset.done @p0 $0x0  }
0x34: {  	s9 =	sadd.s32 $0x1, s9;
	[sflag:s10] =	ssyncadd.s32 @p0 $0xFFFFD800;
	s10 =	rddreg [dreg:$0x3]  }
0x35: {  	p1 =	sne.s32 s9, s21;
	s10 =	sadd.s32 @!p0 s10, s20  }
0x36: {  	[hbm:s10], [sflag:s11] =	dma.local @!p0 [spmem:s12], $0x2700  }
.Ltmp1:
0x37: {  	_ = 	snop;
	(pc) =	sbr.rel @!p1 .LBB2_7-.Ltmp1, $4  }
0x38: {  	s10 =	simm.s32 @!p0 $0x11  }
0x39: {  	_ =	swait.ge @!p0 [sflag:s10], $0x2700  }
0x3a: {  	[sflag:s10] =	ssyncset.done @!p0 $0x0  }
0x3b: {  	[sflag:s10] =	ssyncadd.s32 @!p0 $0xFFFFD900  }
.LBB2_1:
0x3c: {  	s10 =	rddreg [dreg:$0x6]  }
0x3d: {  	s11 =	simm.s32 @p0 $0x1FD1;
	s12 =	rddreg [dreg:$0x7];
	s10 =	sshrl.u32 @p0 s10, $0x3  }
0x3e: {  	[spmem:s10], [sflag:s11] =	dma.local @p0 [hbm:s12], $0x2800  }
0x3f: {  	s11 =	simm.s32 @p0 $0x11  }
0x40: {  	s12 =	stileid.u32;
	_ =	swait.ge @p0 [sflag:s11], $0x2800  }
0x41: {  	s12 =	sshll.u32 @!p0 s12, $0x6;
	[sflag:s11] =	ssyncset.done @p0 $0x0  }
0x42: {  	[sflag:s11] =	ssyncadd.s32 @p0 $0xFFFFD800;
	s11 =	sor.u32 @!p0 $0x1C11, s12;
	s12 =	rddreg [dreg:$0x4]  }
0x43: {  	s15 =	rddreg [dreg:$0x5];
	s12 =	sshrl.u32 @!p0 s12, $0x3  }
0x44: {  	[spmem:s12], [sflag:s11] =	dma.local @!p0 [hbm:s15], $0x2700  }
0x45: {  	s15 =	simm.s32 @!p0 $0x11  }
0x46: {  	_ =	swait.ge @!p0 [sflag:s15], $0x2700  }
0x47: {  	[sflag:s15] =	ssyncset.done @!p0 $0x0  }
0x48: {  	[sflag:s15] =	ssyncadd.s32 @!p0 $0xFFFFD900  }
0x49: {  	[bflag:$0x0] =	sbarrier.arrive $0xFFFF  }
0x4a: {  	s16 =	rddreg [dreg:$0x8]  }
0x4b: {  	[tilespmem:s3], [sflag:$0x1] =	stream.linear.gather [hbm4b:s16+s3], $0x60, $0x38;
	[tilespmem:$0x1FD80] =	vst v63  }
0x4c: {  	s18 =	rddreg [dreg:$0x9];
	s16 =	simm.s32 $0x200  }
0x4d: {  	[tilespmem:s16], [sflag:$0x5] =	stream.linear.gather [hbm4b:s18+s3], $0x60, $0x38;
	[tilespmem:$0x1FD80] =	vst v63  }
0x4e: {  	s19 =	rddreg [dreg:$0xa]  }
0x4f: {  	[tilespmem:s25], [sflag:$0x2] =	stream.linear.gather [hbm4b:s19+s3], $0x60, $0x38;
	[tilespmem:$0x1FD80] =	vst v63  }
0x50: {  	s23 =	simm.s32 $0x280;
	s22 =	rddreg [dreg:$0xb]  }
0x51: {  	[tilespmem:s23], [sflag:$0x6] =	stream.linear.gather [hbm4b:s22+s3], $0x60, $0x38;
	[tilespmem:$0x1FD80] =	vst v63  }
0x52: {  	s18 =	rddreg [dreg:$0xc];
	s19 =	simm.s32 $0x100  }
0x53: {  	[tilespmem:s19], [sflag:$0x3] =	stream.linear.gather [hbm4b:s18+s3], $0x60, $0x38;
	[tilespmem:$0x1FD80] =	vst v63  }
0x54: {  	s22 =	rddreg [dreg:$0xd];
	s23 =	simm.s32 $0x300  }
0x55: {  	[tilespmem:s23], [sflag:$0x7] =	stream.linear.gather [hbm4b:s22+s3], $0x60, $0x38;
	[tilespmem:$0x1FD80] =	vst v63  }
0x56: {  	s16 =	rddreg [dreg:$0xe];
	s18 =	simm.s32 $0x180  }
0x57: {  	[tilespmem:s18], [sflag:$0x4] =	stream.linear.gather [hbm4b:s16+s3], $0x60, $0x38;
	[tilespmem:$0x1FD80] =	vst v63  }
0x58: {  	s19 =	rddreg [dreg:$0xf];
	s22 =	simm.s32 $0x380  }
0x59: {  	[tilespmem:s22], [sflag:$0x8] =	stream.linear.gather [hbm4b:s19+s3], $0x60, $0x38;
	[tilespmem:$0x1FD80] =	vst v63  }
0x5a: {  	_ =	swait.ge [sflag:s0], $0x60  }
0x5b: {  	[sflag:s0] =	ssyncset.done $0x0  }
0x5c: {  	[sflag:s0] =	ssyncadd.s32 $0xFFFFFFA0  }
0x5d: {  	_ =	swait.ge [sflag:s24], $0x60  }
0x5e: {  	[sflag:s24] =	ssyncset.done $0x0  }
0x5f: {  	[sflag:s24] =	ssyncadd.s32 $0xFFFFFFA0  }
0x60: {  	[tilespmem:s1], [sflag:$0x9] =	stream.indirect.gather [hbm4b:s17+s26], $0x80, s3, s26, $0xb8;
	[tilespmem:$0x1FD80] =	vst v63  }
0x61: {  	_ =	swait.ge [sflag:s28], $0x60  }
0x62: {  	[sflag:s28] =	ssyncset.done $0x0  }
0x63: {  	[sflag:s28] =	ssyncadd.s32 $0xFFFFFFA0  }
.Ltmp2:
0x64: {  	_ =	swait.ge [sflag:s29], $0x60;
	(pc) =	sbr.rel .LBB2_2-.Ltmp2, $4  }
0x65: {  	[sflag:s29] =	ssyncset.done $0x0  }
0x66: {  	s23 =	simm.s32 $0x3400;
	[sflag:s29] =	ssyncadd.s32 $0xFFFFFFA0  }
0x67: {  	[tilespmem:s23], [sflag:$0xA] =	stream.indirect.gather [hbm4b:s17+s26], $0x80, s25, s26, $0xb8;
	[tilespmem:$0x1FD80] =	vst v63  }
0x68: {  	s15 =	simm.s32 $0x0;
	s22 =	smov.u32 s14;
	s23 =	smov.u32 s13  }
.LBB2_4:
0x69: {  	p1 =	seq.s32 s16, $0x2  }
0x6a: {  	p2 =	sgt.u32 @p1 s15, $0xCD  }
0x6b: {  	p2 =	por p2, !p1  }
0x6c: {  	s16 =	simm.s32 @!p2 $0x1  }
0x6d: {  	_ =	swait.ge @!p2 [sflag:s16], $0x60  }
0x6e: {  	[sflag:s16] =	ssyncset.done @!p2 $0x0  }
0x6f: {  	[sflag:s16] =	ssyncadd.s32 @!p2 $0xFFFFFFA0;
	s16 =	simm.s32 @!p2 $0x5  }
0x70: {  	_ =	swait.ge @!p2 [sflag:s16], $0x60  }
0x71: {  	s18 =	simm.s32 @!p2 $0x0;
	[sflag:s16] =	ssyncset.done @!p2 $0x0  }
0x72: {  	s19 =	simm.s32 @!p2 $0x400;
	[sflag:s16] =	ssyncadd.s32 @!p2 $0xFFFFFFA0;
	s16 =	simm.s32 @!p2 $0x60  }
0x73: {  	[tilespmem:s19], [sflag:$0x9] =	stream.indirect.gather @!p2 [hbm4b:s17+s16], $0x80, s18, s16, $0xb8;
	[tilespmem:$0x1FD80] =	vst v63  }
0x74: {  	s16 =	simm.s32 @p1 $0xB  }
0x75: {  	s18 =	simm.s32 @p1 $0x300;
	_ =	swait.ge @p1 [sflag:s16], $0x3000  }
0x76: {  	s19 =	simm.s32 @p1 $0x6400;
	p2 =	seq.s32 @p1 s15, $0x0;
	[sflag:s16] =	ssyncset.done @p1 $0x0  }
0x77: {  	p3 =	por p2, !p1;
	[sflag:s16] =	ssyncadd.s32 @p1 $0xFFFFD000;
	s16 =	simm.s32 @p1 $0x60  }
0x78: {  	[spmem:s2] =	stream.indirect.scatter.add.f32 @p1 [tilespmem:s19], [sflag:$0xF], $0x80, s18, s16, $0xb8;
	[tilespmem:$0x1FD80] =	vst v63  }
0x79: {  	p4 =	sgt.u32 @!p3 s15, $0xCC;
	s16 =	simm.s32 @!p3 $0xE  }
0x7a: {  	p2 =	por @p1 p4, p2;
	_ =	swait.ge @!p3 [sflag:s16], $0x3000  }
0x7b: {  	p2 =	por p2, !p1;
	[sflag:s16] =	ssyncset.done @!p3 $0x0  }
0x7c: {  	s18 =	simm.s32 @!p2 $0x80;
	[sflag:s16] =	ssyncadd.s32 @!p3 $0xFFFFD000;
	s16 =	simm.s32 @!p2 $0x0  }
0x7d: {  	[tilespmem:s18], [sflag:$0x2] =	stream.linear.gather @!p2 [hbm4b:s23+s16], $0x60, $0x38;
	[tilespmem:$0x1FD80] =	vst v63  }
0x7e: {  	s18 =	simm.s32 @!p2 $0x280  }
0x7f: {  	[tilespmem:s18], [sflag:$0x6] =	stream.linear.gather @!p2 [hbm4b:s22+s16], $0x60, $0x38;
	[tilespmem:$0x1FD80] =	vst v63  }
0x80: {  	p2 =	sgt.u32 @!p1 s15, $0xCD  }
0x81: {  	p2 =	por p2, p1  }
0x82: {  	s16 =	simm.s32 @!p2 $0x2  }
0x83: {  	_ =	swait.ge @!p2 [sflag:s16], $0x60  }
0x84: {  	[sflag:s16] =	ssyncset.done @!p2 $0x0  }
0x85: {  	[sflag:s16] =	ssyncadd.s32 @!p2 $0xFFFFFFA0;
	s16 =	simm.s32 @!p2 $0x6  }
0x86: {  	_ =	swait.ge @!p2 [sflag:s16], $0x60  }
0x87: {  	s18 =	simm.s32 @!p2 $0x80;
	[sflag:s16] =	ssyncset.done @!p2 $0x0  }
0x88: {  	s19 =	simm.s32 @!p2 $0x3400;
	[sflag:s16] =	ssyncadd.s32 @!p2 $0xFFFFFFA0;
	s16 =	simm.s32 @!p2 $0x60  }
0x89: {  	[tilespmem:s19], [sflag:$0xA] =	stream.indirect.gather @!p2 [hbm4b:s17+s16], $0x80, s18, s16, $0xb8;
	[tilespmem:$0x1FD80] =	vst v63  }
0x8a: {  	s16 =	simm.s32 @!p1 $0xC  }
0x8b: {  	s18 =	simm.s32 @!p1 $0x380;
	_ =	swait.ge @!p1 [sflag:s16], $0x3000  }
0x8c: {  	s19 =	simm.s32 @!p1 $0x9400;
	p2 =	seq.s32 @!p1 s15, $0x0;
	[sflag:s16] =	ssyncset.done @!p1 $0x0  }
0x8d: {  	p3 =	por p2, p1;
	[sflag:s16] =	ssyncadd.s32 @!p1 $0xFFFFD000;
	s16 =	simm.s32 @!p1 $0x60  }
0x8e: {  	[spmem:s2] =	stream.indirect.scatter.add.f32 @!p1 [tilespmem:s19], [sflag:$0x10], $0x80, s18, s16, $0xb8;
	[tilespmem:$0x1FD80] =	vst v63  }
0x8f: {  	p4 =	sgt.u32 @!p3 s15, $0xCC;
	s16 =	simm.s32 @!p3 $0xF  }
0x90: {  	p2 =	por @!p1 p4, p2;
	_ =	swait.ge @!p3 [sflag:s16], $0x3000  }
0x91: {  	p1 =	por p2, p1;
	[sflag:s16] =	ssyncset.done @!p3 $0x0  }
0x92: {  	s18 =	simm.s32 @!p1 $0x100;
	[sflag:s16] =	ssyncadd.s32 @!p3 $0xFFFFD000;
	s16 =	simm.s32 @!p1 $0x0  }
0x93: {  	[tilespmem:s18], [sflag:$0x3] =	stream.linear.gather @!p1 [hbm4b:s23+s16], $0x60, $0x38;
	[tilespmem:$0x1FD80] =	vst v63  }
0x94: {  	s18 =	simm.s32 @!p1 $0x300  }
0x95: {  	[tilespmem:s18], [sflag:$0x7] =	stream.linear.gather @!p1 [hbm4b:s22+s16], $0x60, $0x38;
	[tilespmem:$0x1FD80] =	vst v63  }
.LBB2_5:
0x96: {  	s15 =	sadd.s32 $0x1, s15  }
0x97: {  	p1 =	sne.s32 s15, $0xD0  }
.Ltmp3:
0x98: {  	_ = 	snop;
	(pc) =	sbr.rel @!p1 .LBB2_6-.Ltmp3, $2  }
0x99: {  	_ =	sdelay $0x2  }
0x9a: {  	s22 =	sadd.s32 $0xC, s22;
	s23 =	sadd.s32 $0xC, s23  }
.LBB2_2:
0x9b: {  	s16 =	sand.u32 $0x3, s15  }
0x9c: {  	p1 =	sgt.s32 s16, $0x1  }
.Ltmp4:
0x9d: {  	_ = 	snop;
	(pc) =	sbr.rel @p1 .LBB2_4-.Ltmp4, $1  }
0x9e: {  	_ =	sdelay $0x3  }
0x9f: {  	p1 =	seq.s32 s16, $0x0  }
0xa0: {  	p2 =	sgt.u32 @p1 s15, $0xCD  }
0xa1: {  	p2 =	por p2, !p1  }
0xa2: {  	s16 =	simm.s32 @!p2 $0x3  }
0xa3: {  	_ =	swait.ge @!p2 [sflag:s16], $0x60  }
0xa4: {  	[sflag:s16] =	ssyncset.done @!p2 $0x0  }
0xa5: {  	[sflag:s16] =	ssyncadd.s32 @!p2 $0xFFFFFFA0;
	s16 =	simm.s32 @!p2 $0x7  }
0xa6: {  	_ =	swait.ge @!p2 [sflag:s16], $0x60  }
0xa7: {  	s18 =	simm.s32 @!p2 $0x100;
	[sflag:s16] =	ssyncset.done @!p2 $0x0  }
0xa8: {  	s19 =	simm.s32 @!p2 $0x6400;
	[sflag:s16] =	ssyncadd.s32 @!p2 $0xFFFFFFA0;
	s16 =	simm.s32 @!p2 $0x60  }
0xa9: {  	[tilespmem:s19], [sflag:$0xB] =	stream.indirect.gather @!p2 [hbm4b:s17+s16], $0x80, s18, s16, $0xb8;
	[tilespmem:$0x1FD80] =	vst v63  }
0xaa: {  	s16 =	simm.s32 @p1 $0x9  }
0xab: {  	s18 =	simm.s32 @p1 $0x200;
	_ =	swait.ge @p1 [sflag:s16], $0x3000  }
0xac: {  	s19 =	simm.s32 @p1 $0x400;
	p2 =	seq.s32 @p1 s15, $0x0;
	[sflag:s16] =	ssyncset.done @p1 $0x0  }
0xad: {  	p3 =	por p2, !p1;
	[sflag:s16] =	ssyncadd.s32 @p1 $0xFFFFD000;
	s16 =	simm.s32 @p1 $0x60  }
0xae: {  	[spmem:s2] =	stream.indirect.scatter.add.f32 @p1 [tilespmem:s19], [sflag:$0xD], $0x80, s18, s16, $0xb8;
	[tilespmem:$0x1FD80] =	vst v63  }
0xaf: {  	p4 =	sgt.u32 @!p3 s15, $0xCC;
	s16 =	simm.s32 @!p3 $0x10  }
0xb0: {  	p2 =	por @p1 p4, p2;
	_ =	swait.ge @!p3 [sflag:s16], $0x3000  }
0xb1: {  	p2 =	por p2, !p1;
	[sflag:s16] =	ssyncset.done @!p3 $0x0  }
0xb2: {  	s18 =	simm.s32 @!p2 $0x180;
	[sflag:s16] =	ssyncadd.s32 @!p3 $0xFFFFD000;
	s16 =	simm.s32 @!p2 $0x0  }
0xb3: {  	[tilespmem:s18], [sflag:$0x4] =	stream.linear.gather @!p2 [hbm4b:s23+s16], $0x60, $0x38;
	[tilespmem:$0x1FD80] =	vst v63  }
0xb4: {  	s18 =	simm.s32 @!p2 $0x380  }
0xb5: {  	[tilespmem:s18], [sflag:$0x8] =	stream.linear.gather @!p2 [hbm4b:s22+s16], $0x60, $0x38;
	[tilespmem:$0x1FD80] =	vst v63  }
0xb6: {  	p2 =	sgt.u32 @!p1 s15, $0xCD  }
0xb7: {  	p2 =	por p2, p1  }
0xb8: {  	s16 =	simm.s32 @!p2 $0x4  }
0xb9: {  	_ =	swait.ge @!p2 [sflag:s16], $0x60  }
0xba: {  	[sflag:s16] =	ssyncset.done @!p2 $0x0  }
0xbb: {  	[sflag:s16] =	ssyncadd.s32 @!p2 $0xFFFFFFA0;
	s16 =	simm.s32 @!p2 $0x8  }
0xbc: {  	_ =	swait.ge @!p2 [sflag:s16], $0x60  }
0xbd: {  	s18 =	simm.s32 @!p2 $0x180;
	[sflag:s16] =	ssyncset.done @!p2 $0x0  }
0xbe: {  	s19 =	simm.s32 @!p2 $0x9400;
	[sflag:s16] =	ssyncadd.s32 @!p2 $0xFFFFFFA0;
	s16 =	simm.s32 @!p2 $0x60  }
0xbf: {  	[tilespmem:s19], [sflag:$0xC] =	stream.indirect.gather @!p2 [hbm4b:s17+s16], $0x80, s18, s16, $0xb8;
	[tilespmem:$0x1FD80] =	vst v63  }
0xc0: {  	s16 =	simm.s32 @!p1 $0xA  }
0xc1: {  	s18 =	simm.s32 @!p1 $0x280;
	_ =	swait.ge @!p1 [sflag:s16], $0x3000  }
0xc2: {  	s19 =	simm.s32 @!p1 $0x3400;
	p2 =	seq.s32 @!p1 s15, $0x0;
	[sflag:s16] =	ssyncset.done @!p1 $0x0  }
0xc3: {  	p3 =	por p2, p1;
	[sflag:s16] =	ssyncadd.s32 @!p1 $0xFFFFD000;
	s16 =	simm.s32 @!p1 $0x60  }
0xc4: {  	[spmem:s2] =	stream.indirect.scatter.add.f32 @!p1 [tilespmem:s19], [sflag:$0xE], $0x80, s18, s16, $0xb8;
	[tilespmem:$0x1FD80] =	vst v63  }
0xc5: {  	p4 =	sgt.u32 @!p3 s15, $0xCC;
	s16 =	simm.s32 @!p3 $0xD  }
0xc6: {  	p2 =	por @!p1 p4, p2;
	_ =	swait.ge @!p3 [sflag:s16], $0x3000  }
.Ltmp5:
0xc7: {  	p1 =	por p2, p1;
	[sflag:s16] =	ssyncset.done @!p3 $0x0;
	(pc) =	sbr.rel .LBB2_5-.Ltmp5, $4  }
0xc8: {  	[sflag:s16] =	ssyncadd.s32 @!p3 $0xFFFFD000;
	s16 =	simm.s32 @!p1 $0x0  }
0xc9: {  	[tilespmem:s16], [sflag:$0x1] =	stream.linear.gather @!p1 [hbm4b:s23+s16], $0x60, $0x38;
	[tilespmem:$0x1FD80] =	vst v63  }
0xca: {  	s18 =	simm.s32 @!p1 $0x200  }
0xcb: {  	[tilespmem:s18], [sflag:$0x5] =	stream.linear.gather @!p1 [hbm4b:s22+s16], $0x60, $0x38;
	[tilespmem:$0x1FD80] =	vst v63  }
.LBB2_7:
0xcc: {  	_ =	sfence.sel $0x180000  }
0xcd: {  	[bflag:$0x0] =	sbarrier.arrive $0xFFFF  }
0xce: {  	_ =	strace $0x90000047  }
0xcf: {  	s0 =	stileid.u32;
	[bflag:$0x2] =	sbarrier.arrive $0xFFFF  }
0xd0: {  	p0 =	sne.s32 s0, $0x0;
	s0 =	rddreg [dreg:$0x2]  }
0xd1: {  	s0 =	sadd.s32 @!p0 $0x100000, s0  }
0xd2: {  	[sflag:s0] =	ssyncadd.tile.s32 @!p0 $0x1;
	_ =	shalt  }
.Lfunc_end2:
_tile_overlayer_lowered:
.L_overlay_start_2:
0xd3: {  	(tag) =	ssettag $0x2  }
0xd4: {  	s0 =	rddreg [dreg:$0x0];
	s2 =	stileid.u32  }
0xd5: {  	s1 =	rddreg [dreg:$0x1];
	p0 =	sne.s32 s2, $0x0  }
0xd6: {  	s3 =	rddreg [dreg:$0x2];
	[bflag:$0x3] =	sbarrier.arrive $0xFFFF;
	s2 =	simm.s32 @!p0 $0x1C11  }
0xd7: {  	[timem:s3], [sflag:s2] =	dma.local @!p0 [hbm:s0], s1  }
0xd8: {  	s0 =	simm.s32 @!p0 $0x11  }
0xd9: {  	_ =	swait.ge @!p0 [sflag:s0], s1  }
0xda: {  	s1 =	ssub.s32 @!p0 $0x0, s1;
	[sflag:s0] =	ssyncset.done @!p0 $0x0  }
0xdb: {  	[sflag:s0] =	ssyncadd.s32 @!p0 s1  }
0xdc: {  	[bflag:$0x3] =	sbarrier.arrive $0xFFFF  }
0xdd: {  	_ =	shalt  }

</sc_bundles>
